<compile_context>
chip_gen: v7x
topology: tpu7x:2x2x1
jax: 0.10.2.dev20260603
libtpu: 0.0.44.dev20260713+nightly
codegen_flags: <defaults>
</compile_context>

<pallas_src>
import functools

import jax
import jax.numpy as jnp
from jax import lax
from jax.experimental import pallas as pl
from jax.experimental.pallas import tpu as pltpu
from jax.experimental.pallas import tpu_sc as plsc

_NUM_CORES = 2
_NUM_SUBCORES = 16
_NW = _NUM_CORES * _NUM_SUBCORES
_CHUNK = 128
_NBUF = 4


def _make_sc_kernel(n_chunks, chunk, seq, hidden, total):
  per_w = n_chunks * chunk
  mesh = plsc.VectorSubcoreMesh(core_axis_name="c", subcore_axis_name="s")

  @functools.partial(
      pl.kernel,
      out_type=jax.ShapeDtypeStruct((total, 128), jnp.float32),
      mesh=mesh,
      scratch_types=[
          pltpu.VMEM((n_chunks, chunk), jnp.int32),
          pltpu.VMEM((2 * seq, hidden), jnp.float32),
          pltpu.VMEM((_NBUF, chunk, hidden), jnp.float32),
          pltpu.SemaphoreType.DMA((_NBUF,)),
      ],
      compiler_params=pltpu.CompilerParams(use_tc_tiling_on_sc=False),
  )
  def k(idx_hbm, table_hbm, pos2_hbm, out_hbm, idx_v, pos_v, rows_v, sems):
    wid = lax.axis_index("s") * _NUM_CORES + lax.axis_index("c")
    pltpu.sync_copy(idx_hbm.at[wid], idx_v)
    pltpu.sync_copy(pos2_hbm, pos_v)

    for b in range(_NBUF):
      pltpu.async_copy(table_hbm.at[idx_v.at[b]], rows_v.at[b], sems.at[b])

    def outer(t, carry):
      for b in range(_NBUF):
        jj = t * _NBUF + b
        pltpu.make_async_copy(
            table_hbm.at[idx_v.at[jj]], rows_v.at[b], sems.at[b]).wait()
        p = lax.rem(jj * chunk, seq)

        @plsc.parallel_loop(0, chunk, unroll=8)
        def add_row(i):
          for c in range(hidden // 16):
            sl = pl.ds(c * 16, 16)
            plsc.addupdate(rows_v.at[b, i, sl], pos_v[p + i, sl])

        pltpu.sync_copy(
            rows_v.at[b],
            out_hbm.at[pl.ds(wid * per_w + jj * chunk, chunk),
                       pl.ds(0, hidden)])

        nj = jj + _NBUF

        @pl.when(nj < n_chunks)
        def _():
          pltpu.async_copy(
              table_hbm.at[idx_v.at[nj]], rows_v.at[b], sems.at[b])

      return carry

    lax.fori_loop(0, n_chunks // _NBUF, outer, 0)

  return k


def kernel(token_ids, token_embed, position_embed):
  batch, seq = token_ids.shape
  _, hidden = token_embed.shape
  total = batch * seq
  n_chunks = total // (_NW * _CHUNK)

  idx3 = token_ids.reshape(_NW, n_chunks, _CHUNK).astype(jnp.int32)
  pos = position_embed[0, :seq].astype(jnp.float32)
  pos2 = jnp.concatenate([pos, pos], axis=0)

  k = _make_sc_kernel(n_chunks, _CHUNK, seq, hidden, total)
  out = k(idx3, token_embed, pos2)
  return out[:, :hidden].reshape(batch, seq, hidden)

# --- scband reference (transcript-rebuilt; emitter-appended) ---
"""Pipeline reference for scband-text-encoder-35416300323182 (READ-ONLY COPY).

The authoritative reference and input builder live on the scoring server;
editing this copy changes nothing except your own understanding.
"""

import jax, jax.numpy as jnp
import numpy as np

VOCAB = 1000000
HIDDEN = 64
MAX_LEN = 512
BATCH = 4096
SEQ = 200

def setup_inputs(seed: int = 0) -> dict:
    key = jax.random.key(seed)
    k1, k2, k3 = jax.random.split(key, 3)
    token_ids = jax.random.randint(k1, (BATCH, SEQ), 0, VOCAB, dtype=jnp.int64 if jax.config.jax_enable_x64 else jnp.int32)
    token_embed = jax.random.normal(k2, (VOCAB, HIDDEN), dtype=jnp.float32)
    position_embed = jax.random.normal(k3, (1, MAX_LEN, HIDDEN), dtype=jnp.float32) * 0.02
    return {"token_ids": token_ids, "token_embed": token_embed, "position_embed": position_embed}

def reference(token_ids, token_embed, position_embed):
    batch_size, seq_len = token_ids.shape
    token_emb = jnp.take(token_embed, token_ids, axis=0)
    pos_emb = position_embed[:, :seq_len]
    return token_emb + pos_emb

if __name__ == "__main__":
    import jax
    _d = setup_inputs()
    print(jax.jit(kernel)(*tuple(_d.values())))

</pallas_src>

<mosaic_0001>
#map = affine_map<(d0, d1) -> (0, 0, 0)>
#map1 = affine_map<(d0, d1) -> (0, 0)>
module attributes {stable_mosaic.version = 14 : i64} {
  func.func @k(%arg0: i32, %arg1: i32, %arg2: memref<32x200x128xi32, #tpu.memory_space<hbm>>, %arg3: memref<1000000x64xf32, #tpu.memory_space<hbm>>, %arg4: memref<400x64xf32, #tpu.memory_space<hbm>>, %arg5: memref<819200x128xf32, #tpu.memory_space<hbm>>, %arg6: memref<200x128xi32, #tpu.memory_space<vmem>>, %arg7: memref<400x64xf32, #tpu.memory_space<vmem>>, %arg8: memref<4x128x64xf32, #tpu.memory_space<vmem>>, %arg9: memref<4x!tpu.dma_semaphore, #tpu.memory_space<semaphore_mem>>) attributes {dimension_semantics = [#tpu.dimension_semantics<core_parallel>, #tpu.dimension_semantics<subcore_parallel>], iteration_bounds = array<i64: 2, 16>, scalar_prefetch = 0 : i64, scratch_operands = 4 : i64, tpu.core_type = #tpu.core_type<sc_vector_subcore>, window_params = [{transform_indices = #map}, {transform_indices = #map1}, {transform_indices = #map1}, {transform_indices = #map1}]} {
    %mul3A = arith.constant 2 : i32
    %mul3A_0 = arith.muli %arg1, %mul3A : i32
    %add3A = arith.addi %mul3A_0, %arg0 : i32
    "tpu.region"() ({
      %run_scoped3A = tpu.sem_alloc : memref<!tpu.dma_semaphore, #tpu.memory_space<semaphore_mem>>
      %dma_start3A_65 = arith.constant 0 : i32
      %dma_start3A_66 = arith.constant 0 : i32
      %dma_start3A_67 = tpu.memref_slice %arg2[%add3A, %dma_start3A_65, %dma_start3A_66] : memref<32x200x128xi32, #tpu.memory_space<hbm>> -> memref<1x200x128xi32, #tpu.memory_space<hbm>>
      %dma_start3A_68 = tpu.memref_squeeze %dma_start3A_67 : memref<1x200x128xi32, #tpu.memory_space<hbm>> -> memref<200x128xi32, #tpu.memory_space<hbm>>
      %dma_start3A_69 = arith.constant 0 : i32
      %dma_start3A_70 = arith.constant 0 : i32
      %dma_start3A_71 = tpu.memref_slice %arg2[%add3A, %dma_start3A_69, %dma_start3A_70] : memref<32x200x128xi32, #tpu.memory_space<hbm>> -> memref<1x200x128xi32, #tpu.memory_space<hbm>>
      %dma_start3A_72 = tpu.memref_squeeze %dma_start3A_71 : memref<1x200x128xi32, #tpu.memory_space<hbm>> -> memref<200x128xi32, #tpu.memory_space<hbm>>
      tpu.enqueue_dma source(%dma_start3A_72 : memref<200x128xi32, #tpu.memory_space<hbm>>) target(%arg6 : memref<200x128xi32, #tpu.memory_space<vmem>>) target_semaphore(%run_scoped3A : memref<!tpu.dma_semaphore, #tpu.memory_space<semaphore_mem>>)
      %dma_wait3A = arith.constant 0 : i32
      %dma_wait3A_73 = arith.constant 0 : i32
      %dma_wait3A_74 = tpu.memref_slice %arg2[%add3A, %dma_wait3A, %dma_wait3A_73] : memref<32x200x128xi32, #tpu.memory_space<hbm>> -> memref<1x200x128xi32, #tpu.memory_space<hbm>>
      %dma_wait3A_75 = tpu.memref_squeeze %dma_wait3A_74 : memref<1x200x128xi32, #tpu.memory_space<hbm>> -> memref<200x128xi32, #tpu.memory_space<hbm>>
      %dma_wait3A_76 = arith.constant 0 : i32
      %dma_wait3A_77 = arith.constant 0 : i32
      %dma_wait3A_78 = tpu.memref_slice %arg2[%add3A, %dma_wait3A_76, %dma_wait3A_77] : memref<32x200x128xi32, #tpu.memory_space<hbm>> -> memref<1x200x128xi32, #tpu.memory_space<hbm>>
      %dma_wait3A_79 = tpu.memref_squeeze %dma_wait3A_78 : memref<1x200x128xi32, #tpu.memory_space<hbm>> -> memref<200x128xi32, #tpu.memory_space<hbm>>
      tpu.wait_dma2 semaphore(%run_scoped3A : memref<!tpu.dma_semaphore, #tpu.memory_space<semaphore_mem>>) src(%dma_wait3A_79 : memref<200x128xi32, #tpu.memory_space<hbm>>) dst(%arg6 : memref<200x128xi32, #tpu.memory_space<vmem>>)
      tpu.yield
    }) : () -> ()
    "tpu.region"() ({
      %run_scoped3A = tpu.sem_alloc : memref<!tpu.dma_semaphore, #tpu.memory_space<semaphore_mem>>
      tpu.enqueue_dma source(%arg4 : memref<400x64xf32, #tpu.memory_space<hbm>>) target(%arg7 : memref<400x64xf32, #tpu.memory_space<vmem>>) target_semaphore(%run_scoped3A : memref<!tpu.dma_semaphore, #tpu.memory_space<semaphore_mem>>)
      tpu.wait_dma2 semaphore(%run_scoped3A : memref<!tpu.dma_semaphore, #tpu.memory_space<semaphore_mem>>) src(%arg4 : memref<400x64xf32, #tpu.memory_space<hbm>>) dst(%arg7 : memref<400x64xf32, #tpu.memory_space<vmem>>)
      tpu.yield
    }) : () -> ()
    %dma_start3A = arith.constant 0 : i32
    %dma_start3A_1 = arith.constant 0 : i32
    %dma_start3A_2 = arith.constant 0 : i32
    %dma_start3A_3 = arith.constant 0 : i32
    %dma_start3A_4 = arith.constant 0 : i32
    %dma_start3A_5 = tpu.memref_slice %arg8[%dma_start3A_1, %dma_start3A_3, %dma_start3A_4] : memref<4x128x64xf32, #tpu.memory_space<vmem>> -> memref<1x128x64xf32, #tpu.memory_space<vmem>>
    %dma_start3A_6 = tpu.memref_squeeze %dma_start3A_5 : memref<1x128x64xf32, #tpu.memory_space<vmem>> -> memref<128x64xf32, #tpu.memory_space<vmem>>
    %dma_start3A_7 = arith.constant 0 : i32
    %dma_start3A_8 = tpu.memref_slice %arg6[%dma_start3A, %dma_start3A_7] : memref<200x128xi32, #tpu.memory_space<vmem>> -> memref<1x128xi32, #tpu.memory_space<vmem>>
    %dma_start3A_9 = tpu.memref_squeeze %dma_start3A_8 : memref<1x128xi32, #tpu.memory_space<vmem>> -> memref<128xi32, #tpu.memory_space<vmem>>
    %dma_start3A_10 = arith.constant 0 : i32
    %dma_start3A_11 = arith.constant 0 : i32
    %dma_start3A_12 = tpu.memref_slice %arg3[%dma_start3A_10, %dma_start3A_11] : memref<1000000x64xf32, #tpu.memory_space<hbm>> -> memref<1000000x64xf32, #tpu.memory_space<hbm>>
    %dma_start3A_13 = tpu.memref_slice %arg9[%dma_start3A_2] : memref<4x!tpu.dma_semaphore, #tpu.memory_space<semaphore_mem>> -> memref<1x!tpu.dma_semaphore, #tpu.memory_space<semaphore_mem>>
    %dma_start3A_14 = tpu.memref_squeeze %dma_start3A_13 : memref<1x!tpu.dma_semaphore, #tpu.memory_space<semaphore_mem>> -> memref<!tpu.dma_semaphore, #tpu.memory_space<semaphore_mem>>
    tpu.enqueue_indirect_dma source(%dma_start3A_12 : memref<1000000x64xf32, #tpu.memory_space<hbm>>) target(%dma_start3A_6 : memref<128x64xf32, #tpu.memory_space<vmem>>) offsets(%dma_start3A_9 : memref<128xi32, #tpu.memory_space<vmem>>) semaphore(%dma_start3A_14 : memref<!tpu.dma_semaphore, #tpu.memory_space<semaphore_mem>>)
    %dma_start3A_15 = arith.constant 1 : i32
    %dma_start3A_16 = arith.constant 1 : i32
    %dma_start3A_17 = arith.constant 1 : i32
    %dma_start3A_18 = arith.constant 0 : i32
    %dma_start3A_19 = arith.constant 0 : i32
    %dma_start3A_20 = tpu.memref_slice %arg8[%dma_start3A_16, %dma_start3A_18, %dma_start3A_19] : memref<4x128x64xf32, #tpu.memory_space<vmem>> -> memref<1x128x64xf32, #tpu.memory_space<vmem>>
    %dma_start3A_21 = tpu.memref_squeeze %dma_start3A_20 : memref<1x128x64xf32, #tpu.memory_space<vmem>> -> memref<128x64xf32, #tpu.memory_space<vmem>>
    %dma_start3A_22 = arith.constant 0 : i32
    %dma_start3A_23 = tpu.memref_slice %arg6[%dma_start3A_15, %dma_start3A_22] : memref<200x128xi32, #tpu.memory_space<vmem>> -> memref<1x128xi32, #tpu.memory_space<vmem>>
    %dma_start3A_24 = tpu.memref_squeeze %dma_start3A_23 : memref<1x128xi32, #tpu.memory_space<vmem>> -> memref<128xi32, #tpu.memory_space<vmem>>
    %dma_start3A_25 = arith.constant 0 : i32
    %dma_start3A_26 = arith.constant 0 : i32
    %dma_start3A_27 = tpu.memref_slice %arg3[%dma_start3A_25, %dma_start3A_26] : memref<1000000x64xf32, #tpu.memory_space<hbm>> -> memref<1000000x64xf32, #tpu.memory_space<hbm>>
    %dma_start3A_28 = tpu.memref_slice %arg9[%dma_start3A_17] : memref<4x!tpu.dma_semaphore, #tpu.memory_space<semaphore_mem>> -> memref<1x!tpu.dma_semaphore, #tpu.memory_space<semaphore_mem>>
    %dma_start3A_29 = tpu.memref_squeeze %dma_start3A_28 : memref<1x!tpu.dma_semaphore, #tpu.memory_space<semaphore_mem>> -> memref<!tpu.dma_semaphore, #tpu.memory_space<semaphore_mem>>
    tpu.enqueue_indirect_dma source(%dma_start3A_27 : memref<1000000x64xf32, #tpu.memory_space<hbm>>) target(%dma_start3A_21 : memref<128x64xf32, #tpu.memory_space<vmem>>) offsets(%dma_start3A_24 : memref<128xi32, #tpu.memory_space<vmem>>) semaphore(%dma_start3A_29 : memref<!tpu.dma_semaphore, #tpu.memory_space<semaphore_mem>>)
    %dma_start3A_30 = arith.constant 2 : i32
    %dma_start3A_31 = arith.constant 2 : i32
    %dma_start3A_32 = arith.constant 2 : i32
    %dma_start3A_33 = arith.constant 0 : i32
    %dma_start3A_34 = arith.constant 0 : i32
    %dma_start3A_35 = tpu.memref_slice %arg8[%dma_start3A_31, %dma_start3A_33, %dma_start3A_34] : memref<4x128x64xf32, #tpu.memory_space<vmem>> -> memref<1x128x64xf32, #tpu.memory_space<vmem>>
    %dma_start3A_36 = tpu.memref_squeeze %dma_start3A_35 : memref<1x128x64xf32, #tpu.memory_space<vmem>> -> memref<128x64xf32, #tpu.memory_space<vmem>>
    %dma_start3A_37 = arith.constant 0 : i32
    %dma_start3A_38 = tpu.memref_slice %arg6[%dma_start3A_30, %dma_start3A_37] : memref<200x128xi32, #tpu.memory_space<vmem>> -> memref<1x128xi32, #tpu.memory_space<vmem>>
    %dma_start3A_39 = tpu.memref_squeeze %dma_start3A_38 : memref<1x128xi32, #tpu.memory_space<vmem>> -> memref<128xi32, #tpu.memory_space<vmem>>
    %dma_start3A_40 = arith.constant 0 : i32
    %dma_start3A_41 = arith.constant 0 : i32
    %dma_start3A_42 = tpu.memref_slice %arg3[%dma_start3A_40, %dma_start3A_41] : memref<1000000x64xf32, #tpu.memory_space<hbm>> -> memref<1000000x64xf32, #tpu.memory_space<hbm>>
    %dma_start3A_43 = tpu.memref_slice %arg9[%dma_start3A_32] : memref<4x!tpu.dma_semaphore, #tpu.memory_space<semaphore_mem>> -> memref<1x!tpu.dma_semaphore, #tpu.memory_space<semaphore_mem>>
    %dma_start3A_44 = tpu.memref_squeeze %dma_start3A_43 : memref<1x!tpu.dma_semaphore, #tpu.memory_space<semaphore_mem>> -> memref<!tpu.dma_semaphore, #tpu.memory_space<semaphore_mem>>
    tpu.enqueue_indirect_dma source(%dma_start3A_42 : memref<1000000x64xf32, #tpu.memory_space<hbm>>) target(%dma_start3A_36 : memref<128x64xf32, #tpu.memory_space<vmem>>) offsets(%dma_start3A_39 : memref<128xi32, #tpu.memory_space<vmem>>) semaphore(%dma_start3A_44 : memref<!tpu.dma_semaphore, #tpu.memory_space<semaphore_mem>>)
    %dma_start3A_45 = arith.constant 3 : i32
    %dma_start3A_46 = arith.constant 3 : i32
    %dma_start3A_47 = arith.constant 3 : i32
    %dma_start3A_48 = arith.constant 0 : i32
    %dma_start3A_49 = arith.constant 0 : i32
    %dma_start3A_50 = tpu.memref_slice %arg8[%dma_start3A_46, %dma_start3A_48, %dma_start3A_49] : memref<4x128x64xf32, #tpu.memory_space<vmem>> -> memref<1x128x64xf32, #tpu.memory_space<vmem>>
    %dma_start3A_51 = tpu.memref_squeeze %dma_start3A_50 : memref<1x128x64xf32, #tpu.memory_space<vmem>> -> memref<128x64xf32, #tpu.memory_space<vmem>>
    %dma_start3A_52 = arith.constant 0 : i32
    %dma_start3A_53 = tpu.memref_slice %arg6[%dma_start3A_45, %dma_start3A_52] : memref<200x128xi32, #tpu.memory_space<vmem>> -> memref<1x128xi32, #tpu.memory_space<vmem>>
    %dma_start3A_54 = tpu.memref_squeeze %dma_start3A_53 : memref<1x128xi32, #tpu.memory_space<vmem>> -> memref<128xi32, #tpu.memory_space<vmem>>
    %dma_start3A_55 = arith.constant 0 : i32
    %dma_start3A_56 = arith.constant 0 : i32
    %dma_start3A_57 = tpu.memref_slice %arg3[%dma_start3A_55, %dma_start3A_56] : memref<1000000x64xf32, #tpu.memory_space<hbm>> -> memref<1000000x64xf32, #tpu.memory_space<hbm>>
    %dma_start3A_58 = tpu.memref_slice %arg9[%dma_start3A_47] : memref<4x!tpu.dma_semaphore, #tpu.memory_space<semaphore_mem>> -> memref<1x!tpu.dma_semaphore, #tpu.memory_space<semaphore_mem>>
    %dma_start3A_59 = tpu.memref_squeeze %dma_start3A_58 : memref<1x!tpu.dma_semaphore, #tpu.memory_space<semaphore_mem>> -> memref<!tpu.dma_semaphore, #tpu.memory_space<semaphore_mem>>
    tpu.enqueue_indirect_dma source(%dma_start3A_57 : memref<1000000x64xf32, #tpu.memory_space<hbm>>) target(%dma_start3A_51 : memref<128x64xf32, #tpu.memory_space<vmem>>) offsets(%dma_start3A_54 : memref<128xi32, #tpu.memory_space<vmem>>) semaphore(%dma_start3A_59 : memref<!tpu.dma_semaphore, #tpu.memory_space<semaphore_mem>>)
    %scan3A = arith.constant 0 : i32
    %scan3A_60 = arith.constant 0 : i32
    %scan3A_61 = arith.constant 50 : i32
    %scan3A_62 = arith.addi %scan3A_60, %scan3A_61 : i32
    %scan3A_63 = arith.constant 1 : i32
    scf.for %scan3A_65 = %scan3A_60 to %scan3A_62 step %scan3A_63  : i32 {
      %mul3A_66 = arith.constant 4 : i32
      %mul3A_67 = arith.muli %scan3A_65, %mul3A_66 : i32
      %add3A_68 = arith.constant 0 : i32
      %add3A_69 = arith.addi %mul3A_67, %add3A_68 : i32
      %dma_wait3A = arith.constant 0 : i32
      %dma_wait3A_70 = arith.constant 0 : i32
      %dma_wait3A_71 = arith.constant 0 : i32
      %dma_wait3A_72 = arith.constant 0 : i32
      %dma_wait3A_73 = tpu.memref_slice %arg8[%dma_wait3A, %dma_wait3A_71, %dma_wait3A_72] : memref<4x128x64xf32, #tpu.memory_space<vmem>> -> memref<1x128x64xf32, #tpu.memory_space<vmem>>
      %dma_wait3A_74 = tpu.memref_squeeze %dma_wait3A_73 : memref<1x128x64xf32, #tpu.memory_space<vmem>> -> memref<128x64xf32, #tpu.memory_space<vmem>>
      %dma_wait3A_75 = arith.constant 0 : i32
      %dma_wait3A_76 = tpu.memref_slice %arg6[%add3A_69, %dma_wait3A_75] : memref<200x128xi32, #tpu.memory_space<vmem>> -> memref<1x128xi32, #tpu.memory_space<vmem>>
      %dma_wait3A_77 = tpu.memref_squeeze %dma_wait3A_76 : memref<1x128xi32, #tpu.memory_space<vmem>> -> memref<128xi32, #tpu.memory_space<vmem>>
      %dma_wait3A_78 = arith.constant 0 : i32
      %dma_wait3A_79 = arith.constant 0 : i32
      %dma_wait3A_80 = tpu.memref_slice %arg3[%dma_wait3A_78, %dma_wait3A_79] : memref<1000000x64xf32, #tpu.memory_space<hbm>> -> memref<1000000x64xf32, #tpu.memory_space<hbm>>
      %dma_wait3A_81 = tpu.memref_slice %arg9[%dma_wait3A_70] : memref<4x!tpu.dma_semaphore, #tpu.memory_space<semaphore_mem>> -> memref<1x!tpu.dma_semaphore, #tpu.memory_space<semaphore_mem>>
      %dma_wait3A_82 = tpu.memref_squeeze %dma_wait3A_81 : memref<1x!tpu.dma_semaphore, #tpu.memory_space<semaphore_mem>> -> memref<!tpu.dma_semaphore, #tpu.memory_space<semaphore_mem>>
      tpu.wait_indirect_dma semaphore(%dma_wait3A_82 : memref<!tpu.dma_semaphore, #tpu.memory_space<semaphore_mem>>) src(%dma_wait3A_80 : memref<1000000x64xf32, #tpu.memory_space<hbm>>) dst(%dma_wait3A_74 : memref<128x64xf32, #tpu.memory_space<vmem>>)
      %mul3A_83 = arith.constant 128 : i32
      %mul3A_84 = arith.muli %add3A_69, %mul3A_83 : i32
      %rem3A = arith.constant 200 : i32
      %rem3A_85 = arith.remsi %mul3A_84, %rem3A : i32
      %parallel_loop3A = arith.constant 0 : i32
      %parallel_loop3A_86 = arith.constant 128 : i32
      %parallel_loop3A_87 = arith.constant 1 : i32
      scf.for %parallel_loop3A_211 = %parallel_loop3A to %parallel_loop3A_86 step %parallel_loop3A_87  : i32 {
        %parallel_loop3A_212 = arith.addi %rem3A_85, %parallel_loop3A_211 : i32
        %parallel_loop3A_213 = arith.index_cast %parallel_loop3A_212 : i32 to index
        %parallel_loop3A_214 = arith.constant 0 : index
        %parallel_loop3A_215 = tpu.vector_load %arg7[%parallel_loop3A_213, %parallel_loop3A_214] {strides = array<i32>} : memref<400x64xf32, #tpu.memory_space<vmem>>, vector<1x16xf32>,
        %parallel_loop3A_216 = vector.shape_cast %parallel_loop3A_215 : vector<1x16xf32> to vector<16xf32>
        %parallel_loop3A_217 = arith.constant 0 : i32
        %parallel_loop3A_218 = arith.index_cast %parallel_loop3A_217 : i32 to index
        %parallel_loop3A_219 = arith.index_cast %parallel_loop3A_211 : i32 to index
        %parallel_loop3A_220 = arith.constant 0 : index
        %parallel_loop3A_221 = tpu.vector_load %arg8[%parallel_loop3A_218, %parallel_loop3A_219, %parallel_loop3A_220] {strides = array<i32>} : memref<4x128x64xf32, #tpu.memory_space<vmem>>, vector<1x1x16xf32>,
        %parallel_loop3A_222 = vector.shape_cast %parallel_loop3A_221 : vector<1x1x16xf32> to vector<16xf32>
        %parallel_loop3A_223 = vector.shape_cast %parallel_loop3A_216 : vector<16xf32> to vector<1x1x16xf32>
        tpu.vector_store %arg8[%parallel_loop3A_218, %parallel_loop3A_219, %parallel_loop3A_220], %parallel_loop3A_223 {add = true, strides = array<i32>} : memref<4x128x64xf32, #tpu.memory_space<vmem>>, vector<1x1x16xf32>,
        %parallel_loop3A_224 = arith.addi %rem3A_85, %parallel_loop3A_211 : i32
        %parallel_loop3A_225 = arith.index_cast %parallel_loop3A_224 : i32 to index
        %parallel_loop3A_226 = arith.constant 16 : index
        %parallel_loop3A_227 = tpu.vector_load %arg7[%parallel_loop3A_225, %parallel_loop3A_226] {strides = array<i32>} : memref<400x64xf32, #tpu.memory_space<vmem>>, vector<1x16xf32>,
        %parallel_loop3A_228 = vector.shape_cast %parallel_loop3A_227 : vector<1x16xf32> to vector<16xf32>
        %parallel_loop3A_229 = arith.constant 0 : i32
        %parallel_loop3A_230 = arith.index_cast %parallel_loop3A_229 : i32 to index
        %parallel_loop3A_231 = arith.index_cast %parallel_loop3A_211 : i32 to index
        %parallel_loop3A_232 = arith.constant 16 : index
        %parallel_loop3A_233 = tpu.vector_load %arg8[%parallel_loop3A_230, %parallel_loop3A_231, %parallel_loop3A_232] {strides = array<i32>} : memref<4x128x64xf32, #tpu.memory_space<vmem>>, vector<1x1x16xf32>,
        %parallel_loop3A_234 = vector.shape_cast %parallel_loop3A_233 : vector<1x1x16xf32> to vector<16xf32>
        %parallel_loop3A_235 = vector.shape_cast %parallel_loop3A_228 : vector<16xf32> to vector<1x1x16xf32>
        tpu.vector_store %arg8[%parallel_loop3A_230, %parallel_loop3A_231, %parallel_loop3A_232], %parallel_loop3A_235 {add = true, strides = array<i32>} : memref<4x128x64xf32, #tpu.memory_space<vmem>>, vector<1x1x16xf32>,
        %parallel_loop3A_236 = arith.addi %rem3A_85, %parallel_loop3A_211 : i32
        %parallel_loop3A_237 = arith.index_cast %parallel_loop3A_236 : i32 to index
        %parallel_loop3A_238 = arith.constant 32 : index
        %parallel_loop3A_239 = tpu.vector_load %arg7[%parallel_loop3A_237, %parallel_loop3A_238] {strides = array<i32>} : memref<400x64xf32, #tpu.memory_space<vmem>>, vector<1x16xf32>,
        %parallel_loop3A_240 = vector.shape_cast %parallel_loop3A_239 : vector<1x16xf32> to vector<16xf32>
        %parallel_loop3A_241 = arith.constant 0 : i32
        %parallel_loop3A_242 = arith.index_cast %parallel_loop3A_241 : i32 to index
        %parallel_loop3A_243 = arith.index_cast %parallel_loop3A_211 : i32 to index
        %parallel_loop3A_244 = arith.constant 32 : index
        %parallel_loop3A_245 = tpu.vector_load %arg8[%parallel_loop3A_242, %parallel_loop3A_243, %parallel_loop3A_244] {strides = array<i32>} : memref<4x128x64xf32, #tpu.memory_space<vmem>>, vector<1x1x16xf32>,
        %parallel_loop3A_246 = vector.shape_cast %parallel_loop3A_245 : vector<1x1x16xf32> to vector<16xf32>
        %parallel_loop3A_247 = vector.shape_cast %parallel_loop3A_240 : vector<16xf32> to vector<1x1x16xf32>
        tpu.vector_store %arg8[%parallel_loop3A_242, %parallel_loop3A_243, %parallel_loop3A_244], %parallel_loop3A_247 {add = true, strides = array<i32>} : memref<4x128x64xf32, #tpu.memory_space<vmem>>, vector<1x1x16xf32>,
        %parallel_loop3A_248 = arith.addi %rem3A_85, %parallel_loop3A_211 : i32
        %parallel_loop3A_249 = arith.index_cast %parallel_loop3A_248 : i32 to index
        %parallel_loop3A_250 = arith.constant 48 : index
        %parallel_loop3A_251 = tpu.vector_load %arg7[%parallel_loop3A_249, %parallel_loop3A_250] {strides = array<i32>} : memref<400x64xf32, #tpu.memory_space<vmem>>, vector<1x16xf32>,
        %parallel_loop3A_252 = vector.shape_cast %parallel_loop3A_251 : vector<1x16xf32> to vector<16xf32>
        %parallel_loop3A_253 = arith.constant 0 : i32
        %parallel_loop3A_254 = arith.index_cast %parallel_loop3A_253 : i32 to index
        %parallel_loop3A_255 = arith.index_cast %parallel_loop3A_211 : i32 to index
        %parallel_loop3A_256 = arith.constant 48 : index
        %parallel_loop3A_257 = tpu.vector_load %arg8[%parallel_loop3A_254, %parallel_loop3A_255, %parallel_loop3A_256] {strides = array<i32>} : memref<4x128x64xf32, #tpu.memory_space<vmem>>, vector<1x1x16xf32>,
        %parallel_loop3A_258 = vector.shape_cast %parallel_loop3A_257 : vector<1x1x16xf32> to vector<16xf32>
        %parallel_loop3A_259 = vector.shape_cast %parallel_loop3A_252 : vector<16xf32> to vector<1x1x16xf32>
        tpu.vector_store %arg8[%parallel_loop3A_254, %parallel_loop3A_255, %parallel_loop3A_256], %parallel_loop3A_259 {add = true, strides = array<i32>} : memref<4x128x64xf32, #tpu.memory_space<vmem>>, vector<1x1x16xf32>,
      } {sc.loop_unroll_factor = 8 : i64, sc.parallel_access}
      %mul3A_88 = arith.constant 25600 : i32
      %mul3A_89 = arith.muli %add3A, %mul3A_88 : i32
      %mul3A_90 = arith.constant 128 : i32
      %mul3A_91 = arith.muli %add3A_69, %mul3A_90 : i32
      %add3A_92 = arith.addi %mul3A_89, %mul3A_91 : i32
      %run_scoped3A = arith.constant 0 : i32
      "tpu.region"() ({
        %run_scoped3A_211 = tpu.sem_alloc : memref<!tpu.dma_semaphore, #tpu.memory_space<semaphore_mem>>
        %dma_start3A_212 = arith.constant 0 : i32
        %dma_start3A_213 = arith.constant 0 : i32
        %dma_start3A_214 = tpu.memref_slice %arg8[%run_scoped3A, %dma_start3A_212, %dma_start3A_213] : memref<4x128x64xf32, #tpu.memory_space<vmem>> -> memref<1x128x64xf32, #tpu.memory_space<vmem>>
        %dma_start3A_215 = tpu.memref_squeeze %dma_start3A_214 : memref<1x128x64xf32, #tpu.memory_space<vmem>> -> memref<128x64xf32, #tpu.memory_space<vmem>>
        %dma_start3A_216 = arith.constant 0 : i32
        %dma_start3A_217 = tpu.memref_slice %arg5[%add3A_92, %dma_start3A_216] : memref<819200x128xf32, #tpu.memory_space<hbm>> -> memref<128x64xf32, #tpu.memory_space<hbm>>
        %dma_start3A_218 = arith.constant 0 : i32
        %dma_start3A_219 = tpu.memref_slice %arg5[%add3A_92, %dma_start3A_218] : memref<819200x128xf32, #tpu.memory_space<hbm>> -> memref<128x64xf32, #tpu.memory_space<hbm>>
        %dma_start3A_220 = arith.constant 0 : i32
        %dma_start3A_221 = arith.constant 0 : i32
        %dma_start3A_222 = tpu.memref_slice %arg8[%run_scoped3A, %dma_start3A_220, %dma_start3A_221] : memref<4x128x64xf32, #tpu.memory_space<vmem>> -> memref<1x128x64xf32, #tpu.memory_space<vmem>>
        %dma_start3A_223 = tpu.memref_squeeze %dma_start3A_222 : memref<1x128x64xf32, #tpu.memory_space<vmem>> -> memref<128x64xf32, #tpu.memory_space<vmem>>
        tpu.enqueue_dma source(%dma_start3A_223 : memref<128x64xf32, #tpu.memory_space<vmem>>) target(%dma_start3A_219 : memref<128x64xf32, #tpu.memory_space<hbm>>) target_semaphore(%run_scoped3A_211 : memref<!tpu.dma_semaphore, #tpu.memory_space<semaphore_mem>>)
        %dma_wait3A_224 = arith.constant 0 : i32
        %dma_wait3A_225 = arith.constant 0 : i32
        %dma_wait3A_226 = tpu.memref_slice %arg8[%run_scoped3A, %dma_wait3A_224, %dma_wait3A_225] : memref<4x128x64xf32, #tpu.memory_space<vmem>> -> memref<1x128x64xf32, #tpu.memory_space<vmem>>
        %dma_wait3A_227 = tpu.memref_squeeze %dma_wait3A_226 : memref<1x128x64xf32, #tpu.memory_space<vmem>> -> memref<128x64xf32, #tpu.memory_space<vmem>>
        %dma_wait3A_228 = arith.constant 0 : i32
        %dma_wait3A_229 = tpu.memref_slice %arg5[%add3A_92, %dma_wait3A_228] : memref<819200x128xf32, #tpu.memory_space<hbm>> -> memref<128x64xf32, #tpu.memory_space<hbm>>
        %dma_wait3A_230 = arith.constant 0 : i32
        %dma_wait3A_231 = tpu.memref_slice %arg5[%add3A_92, %dma_wait3A_230] : memref<819200x128xf32, #tpu.memory_space<hbm>> -> memref<128x64xf32, #tpu.memory_space<hbm>>
        %dma_wait3A_232 = arith.constant 0 : i32
        %dma_wait3A_233 = arith.constant 0 : i32
        %dma_wait3A_234 = tpu.memref_slice %arg8[%run_scoped3A, %dma_wait3A_232, %dma_wait3A_233] : memref<4x128x64xf32, #tpu.memory_space<vmem>> -> memref<1x128x64xf32, #tpu.memory_space<vmem>>
        %dma_wait3A_235 = tpu.memref_squeeze %dma_wait3A_234 : memref<1x128x64xf32, #tpu.memory_space<vmem>> -> memref<128x64xf32, #tpu.memory_space<vmem>>
        tpu.wait_dma2 semaphore(%run_scoped3A_211 : memref<!tpu.dma_semaphore, #tpu.memory_space<semaphore_mem>>) src(%dma_wait3A_235 : memref<128x64xf32, #tpu.memory_space<vmem>>) dst(%dma_wait3A_231 : memref<128x64xf32, #tpu.memory_space<hbm>>)
        tpu.yield
      }) : () -> ()
      %add3A_93 = arith.constant 4 : i32
      %add3A_94 = arith.addi %add3A_69, %add3A_93 : i32
      %lt3A = arith.constant 200 : i32
      %lt3A_95 = arith.cmpi slt, %add3A_94, %lt3A : i32
      %convert_element_type3A = arith.extui %lt3A_95 : i1 to i32
      %cond3A = arith.constant 0 : i32
      %cond3A_96 = arith.cmpi ne, %convert_element_type3A, %cond3A : i32
      scf.if %cond3A_96 {
        %dma_start3A_211 = arith.constant 0 : i32
        %dma_start3A_212 = arith.constant 0 : i32
        %dma_start3A_213 = arith.constant 0 : i32
        %dma_start3A_214 = arith.constant 0 : i32
        %dma_start3A_215 = tpu.memref_slice %arg8[%dma_start3A_211, %dma_start3A_213, %dma_start3A_214] : memref<4x128x64xf32, #tpu.memory_space<vmem>> -> memref<1x128x64xf32, #tpu.memory_space<vmem>>
        %dma_start3A_216 = tpu.memref_squeeze %dma_start3A_215 : memref<1x128x64xf32, #tpu.memory_space<vmem>> -> memref<128x64xf32, #tpu.memory_space<vmem>>
        %dma_start3A_217 = arith.constant 0 : i32
        %dma_start3A_218 = tpu.memref_slice %arg6[%add3A_94, %dma_start3A_217] : memref<200x128xi32, #tpu.memory_space<vmem>> -> memref<1x128xi32, #tpu.memory_space<vmem>>
        %dma_start3A_219 = tpu.memref_squeeze %dma_start3A_218 : memref<1x128xi32, #tpu.memory_space<vmem>> -> memref<128xi32, #tpu.memory_space<vmem>>
        %dma_start3A_220 = arith.constant 0 : i32
        %dma_start3A_221 = arith.constant 0 : i32
        %dma_start3A_222 = tpu.memref_slice %arg3[%dma_start3A_220, %dma_start3A_221] : memref<1000000x64xf32, #tpu.memory_space<hbm>> -> memref<1000000x64xf32, #tpu.memory_space<hbm>>
        %dma_start3A_223 = tpu.memref_slice %arg9[%dma_start3A_212] : memref<4x!tpu.dma_semaphore, #tpu.memory_space<semaphore_mem>> -> memref<1x!tpu.dma_semaphore, #tpu.memory_space<semaphore_mem>>
        %dma_start3A_224 = tpu.memref_squeeze %dma_start3A_223 : memref<1x!tpu.dma_semaphore, #tpu.memory_space<semaphore_mem>> -> memref<!tpu.dma_semaphore, #tpu.memory_space<semaphore_mem>>
        tpu.enqueue_indirect_dma source(%dma_start3A_222 : memref<1000000x64xf32, #tpu.memory_space<hbm>>) target(%dma_start3A_216 : memref<128x64xf32, #tpu.memory_space<vmem>>) offsets(%dma_start3A_219 : memref<128xi32, #tpu.memory_space<vmem>>) semaphore(%dma_start3A_224 : memref<!tpu.dma_semaphore, #tpu.memory_space<semaphore_mem>>)
      } else {
      }
      %mul3A_97 = arith.constant 4 : i32
      %mul3A_98 = arith.muli %scan3A_65, %mul3A_97 : i32
      %add3A_99 = arith.constant 1 : i32
      %add3A_100 = arith.addi %mul3A_98, %add3A_99 : i32
      %dma_wait3A_101 = arith.constant 1 : i32
      %dma_wait3A_102 = arith.constant 1 : i32
      %dma_wait3A_103 = arith.constant 0 : i32
      %dma_wait3A_104 = arith.constant 0 : i32
      %dma_wait3A_105 = tpu.memref_slice %arg8[%dma_wait3A_101, %dma_wait3A_103, %dma_wait3A_104] : memref<4x128x64xf32, #tpu.memory_space<vmem>> -> memref<1x128x64xf32, #tpu.memory_space<vmem>>
      %dma_wait3A_106 = tpu.memref_squeeze %dma_wait3A_105 : memref<1x128x64xf32, #tpu.memory_space<vmem>> -> memref<128x64xf32, #tpu.memory_space<vmem>>
      %dma_wait3A_107 = arith.constant 0 : i32
      %dma_wait3A_108 = tpu.memref_slice %arg6[%add3A_100, %dma_wait3A_107] : memref<200x128xi32, #tpu.memory_space<vmem>> -> memref<1x128xi32, #tpu.memory_space<vmem>>
      %dma_wait3A_109 = tpu.memref_squeeze %dma_wait3A_108 : memref<1x128xi32, #tpu.memory_space<vmem>> -> memref<128xi32, #tpu.memory_space<vmem>>
      %dma_wait3A_110 = arith.constant 0 : i32
      %dma_wait3A_111 = arith.constant 0 : i32
      %dma_wait3A_112 = tpu.memref_slice %arg3[%dma_wait3A_110, %dma_wait3A_111] : memref<1000000x64xf32, #tpu.memory_space<hbm>> -> memref<1000000x64xf32, #tpu.memory_space<hbm>>
      %dma_wait3A_113 = tpu.memref_slice %arg9[%dma_wait3A_102] : memref<4x!tpu.dma_semaphore, #tpu.memory_space<semaphore_mem>> -> memref<1x!tpu.dma_semaphore, #tpu.memory_space<semaphore_mem>>
      %dma_wait3A_114 = tpu.memref_squeeze %dma_wait3A_113 : memref<1x!tpu.dma_semaphore, #tpu.memory_space<semaphore_mem>> -> memref<!tpu.dma_semaphore, #tpu.memory_space<semaphore_mem>>
      tpu.wait_indirect_dma semaphore(%dma_wait3A_114 : memref<!tpu.dma_semaphore, #tpu.memory_space<semaphore_mem>>) src(%dma_wait3A_112 : memref<1000000x64xf32, #tpu.memory_space<hbm>>) dst(%dma_wait3A_106 : memref<128x64xf32, #tpu.memory_space<vmem>>)
      %mul3A_115 = arith.constant 128 : i32
      %mul3A_116 = arith.muli %add3A_100, %mul3A_115 : i32
      %rem3A_117 = arith.constant 200 : i32
      %rem3A_118 = arith.remsi %mul3A_116, %rem3A_117 : i32
      %parallel_loop3A_119 = arith.constant 0 : i32
      %parallel_loop3A_120 = arith.constant 128 : i32
      %parallel_loop3A_121 = arith.constant 1 : i32
      scf.for %parallel_loop3A_211 = %parallel_loop3A_119 to %parallel_loop3A_120 step %parallel_loop3A_121  : i32 {
        %parallel_loop3A_212 = arith.addi %rem3A_118, %parallel_loop3A_211 : i32
        %parallel_loop3A_213 = arith.index_cast %parallel_loop3A_212 : i32 to index
        %parallel_loop3A_214 = arith.constant 0 : index
        %parallel_loop3A_215 = tpu.vector_load %arg7[%parallel_loop3A_213, %parallel_loop3A_214] {strides = array<i32>} : memref<400x64xf32, #tpu.memory_space<vmem>>, vector<1x16xf32>,
        %parallel_loop3A_216 = vector.shape_cast %parallel_loop3A_215 : vector<1x16xf32> to vector<16xf32>
        %parallel_loop3A_217 = arith.constant 1 : i32
        %parallel_loop3A_218 = arith.index_cast %parallel_loop3A_217 : i32 to index
        %parallel_loop3A_219 = arith.index_cast %parallel_loop3A_211 : i32 to index
        %parallel_loop3A_220 = arith.constant 0 : index
        %parallel_loop3A_221 = tpu.vector_load %arg8[%parallel_loop3A_218, %parallel_loop3A_219, %parallel_loop3A_220] {strides = array<i32>} : memref<4x128x64xf32, #tpu.memory_space<vmem>>, vector<1x1x16xf32>,
        %parallel_loop3A_222 = vector.shape_cast %parallel_loop3A_221 : vector<1x1x16xf32> to vector<16xf32>
        %parallel_loop3A_223 = vector.shape_cast %parallel_loop3A_216 : vector<16xf32> to vector<1x1x16xf32>
        tpu.vector_store %arg8[%parallel_loop3A_218, %parallel_loop3A_219, %parallel_loop3A_220], %parallel_loop3A_223 {add = true, strides = array<i32>} : memref<4x128x64xf32, #tpu.memory_space<vmem>>, vector<1x1x16xf32>,
        %parallel_loop3A_224 = arith.addi %rem3A_118, %parallel_loop3A_211 : i32
        %parallel_loop3A_225 = arith.index_cast %parallel_loop3A_224 : i32 to index
        %parallel_loop3A_226 = arith.constant 16 : index
        %parallel_loop3A_227 = tpu.vector_load %arg7[%parallel_loop3A_225, %parallel_loop3A_226] {strides = array<i32>} : memref<400x64xf32, #tpu.memory_space<vmem>>, vector<1x16xf32>,
        %parallel_loop3A_228 = vector.shape_cast %parallel_loop3A_227 : vector<1x16xf32> to vector<16xf32>
        %parallel_loop3A_229 = arith.constant 1 : i32
        %parallel_loop3A_230 = arith.index_cast %parallel_loop3A_229 : i32 to index
        %parallel_loop3A_231 = arith.index_cast %parallel_loop3A_211 : i32 to index
        %parallel_loop3A_232 = arith.constant 16 : index
        %parallel_loop3A_233 = tpu.vector_load %arg8[%parallel_loop3A_230, %parallel_loop3A_231, %parallel_loop3A_232] {strides = array<i32>} : memref<4x128x64xf32, #tpu.memory_space<vmem>>, vector<1x1x16xf32>,
        %parallel_loop3A_234 = vector.shape_cast %parallel_loop3A_233 : vector<1x1x16xf32> to vector<16xf32>
        %parallel_loop3A_235 = vector.shape_cast %parallel_loop3A_228 : vector<16xf32> to vector<1x1x16xf32>
        tpu.vector_store %arg8[%parallel_loop3A_230, %parallel_loop3A_231, %parallel_loop3A_232], %parallel_loop3A_235 {add = true, strides = array<i32>} : memref<4x128x64xf32, #tpu.memory_space<vmem>>, vector<1x1x16xf32>,
        %parallel_loop3A_236 = arith.addi %rem3A_118, %parallel_loop3A_211 : i32
        %parallel_loop3A_237 = arith.index_cast %parallel_loop3A_236 : i32 to index
        %parallel_loop3A_238 = arith.constant 32 : index
        %parallel_loop3A_239 = tpu.vector_load %arg7[%parallel_loop3A_237, %parallel_loop3A_238] {strides = array<i32>} : memref<400x64xf32, #tpu.memory_space<vmem>>, vector<1x16xf32>,
        %parallel_loop3A_240 = vector.shape_cast %parallel_loop3A_239 : vector<1x16xf32> to vector<16xf32>
        %parallel_loop3A_241 = arith.constant 1 : i32
        %parallel_loop3A_242 = arith.index_cast %parallel_loop3A_241 : i32 to index
        %parallel_loop3A_243 = arith.index_cast %parallel_loop3A_211 : i32 to index
        %parallel_loop3A_244 = arith.constant 32 : index
        %parallel_loop3A_245 = tpu.vector_load %arg8[%parallel_loop3A_242, %parallel_loop3A_243, %parallel_loop3A_244] {strides = array<i32>} : memref<4x128x64xf32, #tpu.memory_space<vmem>>, vector<1x1x16xf32>,
        %parallel_loop3A_246 = vector.shape_cast %parallel_loop3A_245 : vector<1x1x16xf32> to vector<16xf32>
        %parallel_loop3A_247 = vector.shape_cast %parallel_loop3A_240 : vector<16xf32> to vector<1x1x16xf32>
        tpu.vector_store %arg8[%parallel_loop3A_242, %parallel_loop3A_243, %parallel_loop3A_244], %parallel_loop3A_247 {add = true, strides = array<i32>} : memref<4x128x64xf32, #tpu.memory_space<vmem>>, vector<1x1x16xf32>,
        %parallel_loop3A_248 = arith.addi %rem3A_118, %parallel_loop3A_211 : i32
        %parallel_loop3A_249 = arith.index_cast %parallel_loop3A_248 : i32 to index
        %parallel_loop3A_250 = arith.constant 48 : index
        %parallel_loop3A_251 = tpu.vector_load %arg7[%parallel_loop3A_249, %parallel_loop3A_250] {strides = array<i32>} : memref<400x64xf32, #tpu.memory_space<vmem>>, vector<1x16xf32>,
        %parallel_loop3A_252 = vector.shape_cast %parallel_loop3A_251 : vector<1x16xf32> to vector<16xf32>
        %parallel_loop3A_253 = arith.constant 1 : i32
        %parallel_loop3A_254 = arith.index_cast %parallel_loop3A_253 : i32 to index
        %parallel_loop3A_255 = arith.index_cast %parallel_loop3A_211 : i32 to index
        %parallel_loop3A_256 = arith.constant 48 : index
        %parallel_loop3A_257 = tpu.vector_load %arg8[%parallel_loop3A_254, %parallel_loop3A_255, %parallel_loop3A_256] {strides = array<i32>} : memref<4x128x64xf32, #tpu.memory_space<vmem>>, vector<1x1x16xf32>,
        %parallel_loop3A_258 = vector.shape_cast %parallel_loop3A_257 : vector<1x1x16xf32> to vector<16xf32>
        %parallel_loop3A_259 = vector.shape_cast %parallel_loop3A_252 : vector<16xf32> to vector<1x1x16xf32>
        tpu.vector_store %arg8[%parallel_loop3A_254, %parallel_loop3A_255, %parallel_loop3A_256], %parallel_loop3A_259 {add = true, strides = array<i32>} : memref<4x128x64xf32, #tpu.memory_space<vmem>>, vector<1x1x16xf32>,
      } {sc.loop_unroll_factor = 8 : i64, sc.parallel_access}
      %mul3A_122 = arith.constant 25600 : i32
      %mul3A_123 = arith.muli %add3A, %mul3A_122 : i32
      %mul3A_124 = arith.constant 128 : i32
      %mul3A_125 = arith.muli %add3A_100, %mul3A_124 : i32
      %add3A_126 = arith.addi %mul3A_123, %mul3A_125 : i32
      %run_scoped3A_127 = arith.constant 1 : i32
      "tpu.region"() ({
        %run_scoped3A_211 = tpu.sem_alloc : memref<!tpu.dma_semaphore, #tpu.memory_space<semaphore_mem>>
        %dma_start3A_212 = arith.constant 0 : i32
        %dma_start3A_213 = arith.constant 0 : i32
        %dma_start3A_214 = tpu.memref_slice %arg8[%run_scoped3A_127, %dma_start3A_212, %dma_start3A_213] : memref<4x128x64xf32, #tpu.memory_space<vmem>> -> memref<1x128x64xf32, #tpu.memory_space<vmem>>
        %dma_start3A_215 = tpu.memref_squeeze %dma_start3A_214 : memref<1x128x64xf32, #tpu.memory_space<vmem>> -> memref<128x64xf32, #tpu.memory_space<vmem>>
        %dma_start3A_216 = arith.constant 0 : i32
        %dma_start3A_217 = tpu.memref_slice %arg5[%add3A_126, %dma_start3A_216] : memref<819200x128xf32, #tpu.memory_space<hbm>> -> memref<128x64xf32, #tpu.memory_space<hbm>>
        %dma_start3A_218 = arith.constant 0 : i32
        %dma_start3A_219 = tpu.memref_slice %arg5[%add3A_126, %dma_start3A_218] : memref<819200x128xf32, #tpu.memory_space<hbm>> -> memref<128x64xf32, #tpu.memory_space<hbm>>
        %dma_start3A_220 = arith.constant 0 : i32
        %dma_start3A_221 = arith.constant 0 : i32
        %dma_start3A_222 = tpu.memref_slice %arg8[%run_scoped3A_127, %dma_start3A_220, %dma_start3A_221] : memref<4x128x64xf32, #tpu.memory_space<vmem>> -> memref<1x128x64xf32, #tpu.memory_space<vmem>>
        %dma_start3A_223 = tpu.memref_squeeze %dma_start3A_222 : memref<1x128x64xf32, #tpu.memory_space<vmem>> -> memref<128x64xf32, #tpu.memory_space<vmem>>
        tpu.enqueue_dma source(%dma_start3A_223 : memref<128x64xf32, #tpu.memory_space<vmem>>) target(%dma_start3A_219 : memref<128x64xf32, #tpu.memory_space<hbm>>) target_semaphore(%run_scoped3A_211 : memref<!tpu.dma_semaphore, #tpu.memory_space<semaphore_mem>>)
        %dma_wait3A_224 = arith.constant 0 : i32
        %dma_wait3A_225 = arith.constant 0 : i32
        %dma_wait3A_226 = tpu.memref_slice %arg8[%run_scoped3A_127, %dma_wait3A_224, %dma_wait3A_225] : memref<4x128x64xf32, #tpu.memory_space<vmem>> -> memref<1x128x64xf32, #tpu.memory_space<vmem>>
        %dma_wait3A_227 = tpu.memref_squeeze %dma_wait3A_226 : memref<1x128x64xf32, #tpu.memory_space<vmem>> -> memref<128x64xf32, #tpu.memory_space<vmem>>
        %dma_wait3A_228 = arith.constant 0 : i32
        %dma_wait3A_229 = tpu.memref_slice %arg5[%add3A_126, %dma_wait3A_228] : memref<819200x128xf32, #tpu.memory_space<hbm>> -> memref<128x64xf32, #tpu.memory_space<hbm>>
        %dma_wait3A_230 = arith.constant 0 : i32
        %dma_wait3A_231 = tpu.memref_slice %arg5[%add3A_126, %dma_wait3A_230] : memref<819200x128xf32, #tpu.memory_space<hbm>> -> memref<128x64xf32, #tpu.memory_space<hbm>>
        %dma_wait3A_232 = arith.constant 0 : i32
        %dma_wait3A_233 = arith.constant 0 : i32
        %dma_wait3A_234 = tpu.memref_slice %arg8[%run_scoped3A_127, %dma_wait3A_232, %dma_wait3A_233] : memref<4x128x64xf32, #tpu.memory_space<vmem>> -> memref<1x128x64xf32, #tpu.memory_space<vmem>>
        %dma_wait3A_235 = tpu.memref_squeeze %dma_wait3A_234 : memref<1x128x64xf32, #tpu.memory_space<vmem>> -> memref<128x64xf32, #tpu.memory_space<vmem>>
        tpu.wait_dma2 semaphore(%run_scoped3A_211 : memref<!tpu.dma_semaphore, #tpu.memory_space<semaphore_mem>>) src(%dma_wait3A_235 : memref<128x64xf32, #tpu.memory_space<vmem>>) dst(%dma_wait3A_231 : memref<128x64xf32, #tpu.memory_space<hbm>>)
        tpu.yield
      }) : () -> ()
      %add3A_128 = arith.constant 4 : i32
      %add3A_129 = arith.addi %add3A_100, %add3A_128 : i32
      %lt3A_130 = arith.constant 200 : i32
      %lt3A_131 = arith.cmpi slt, %add3A_129, %lt3A_130 : i32
      %convert_element_type3A_132 = arith.extui %lt3A_131 : i1 to i32
      %cond3A_133 = arith.constant 0 : i32
      %cond3A_134 = arith.cmpi ne, %convert_element_type3A_132, %cond3A_133 : i32
      scf.if %cond3A_134 {
        %dma_start3A_211 = arith.constant 1 : i32
        %dma_start3A_212 = arith.constant 1 : i32
        %dma_start3A_213 = arith.constant 0 : i32
        %dma_start3A_214 = arith.constant 0 : i32
        %dma_start3A_215 = tpu.memref_slice %arg8[%dma_start3A_211, %dma_start3A_213, %dma_start3A_214] : memref<4x128x64xf32, #tpu.memory_space<vmem>> -> memref<1x128x64xf32, #tpu.memory_space<vmem>>
        %dma_start3A_216 = tpu.memref_squeeze %dma_start3A_215 : memref<1x128x64xf32, #tpu.memory_space<vmem>> -> memref<128x64xf32, #tpu.memory_space<vmem>>
        %dma_start3A_217 = arith.constant 0 : i32
        %dma_start3A_218 = tpu.memref_slice %arg6[%add3A_129, %dma_start3A_217] : memref<200x128xi32, #tpu.memory_space<vmem>> -> memref<1x128xi32, #tpu.memory_space<vmem>>
        %dma_start3A_219 = tpu.memref_squeeze %dma_start3A_218 : memref<1x128xi32, #tpu.memory_space<vmem>> -> memref<128xi32, #tpu.memory_space<vmem>>
        %dma_start3A_220 = arith.constant 0 : i32
        %dma_start3A_221 = arith.constant 0 : i32
        %dma_start3A_222 = tpu.memref_slice %arg3[%dma_start3A_220, %dma_start3A_221] : memref<1000000x64xf32, #tpu.memory_space<hbm>> -> memref<1000000x64xf32, #tpu.memory_space<hbm>>
        %dma_start3A_223 = tpu.memref_slice %arg9[%dma_start3A_212] : memref<4x!tpu.dma_semaphore, #tpu.memory_space<semaphore_mem>> -> memref<1x!tpu.dma_semaphore, #tpu.memory_space<semaphore_mem>>
        %dma_start3A_224 = tpu.memref_squeeze %dma_start3A_223 : memref<1x!tpu.dma_semaphore, #tpu.memory_space<semaphore_mem>> -> memref<!tpu.dma_semaphore, #tpu.memory_space<semaphore_mem>>
        tpu.enqueue_indirect_dma source(%dma_start3A_222 : memref<1000000x64xf32, #tpu.memory_space<hbm>>) target(%dma_start3A_216 : memref<128x64xf32, #tpu.memory_space<vmem>>) offsets(%dma_start3A_219 : memref<128xi32, #tpu.memory_space<vmem>>) semaphore(%dma_start3A_224 : memref<!tpu.dma_semaphore, #tpu.memory_space<semaphore_mem>>)
      } else {
      }
      %mul3A_135 = arith.constant 4 : i32
      %mul3A_136 = arith.muli %scan3A_65, %mul3A_135 : i32
      %add3A_137 = arith.constant 2 : i32
      %add3A_138 = arith.addi %mul3A_136, %add3A_137 : i32
      %dma_wait3A_139 = arith.constant 2 : i32
      %dma_wait3A_140 = arith.constant 2 : i32
      %dma_wait3A_141 = arith.constant 0 : i32
      %dma_wait3A_142 = arith.constant 0 : i32
      %dma_wait3A_143 = tpu.memref_slice %arg8[%dma_wait3A_139, %dma_wait3A_141, %dma_wait3A_142] : memref<4x128x64xf32, #tpu.memory_space<vmem>> -> memref<1x128x64xf32, #tpu.memory_space<vmem>>
      %dma_wait3A_144 = tpu.memref_squeeze %dma_wait3A_143 : memref<1x128x64xf32, #tpu.memory_space<vmem>> -> memref<128x64xf32, #tpu.memory_space<vmem>>
      %dma_wait3A_145 = arith.constant 0 : i32
      %dma_wait3A_146 = tpu.memref_slice %arg6[%add3A_138, %dma_wait3A_145] : memref<200x128xi32, #tpu.memory_space<vmem>> -> memref<1x128xi32, #tpu.memory_space<vmem>>
      %dma_wait3A_147 = tpu.memref_squeeze %dma_wait3A_146 : memref<1x128xi32, #tpu.memory_space<vmem>> -> memref<128xi32, #tpu.memory_space<vmem>>
      %dma_wait3A_148 = arith.constant 0 : i32
      %dma_wait3A_149 = arith.constant 0 : i32
      %dma_wait3A_150 = tpu.memref_slice %arg3[%dma_wait3A_148, %dma_wait3A_149] : memref<1000000x64xf32, #tpu.memory_space<hbm>> -> memref<1000000x64xf32, #tpu.memory_space<hbm>>
      %dma_wait3A_151 = tpu.memref_slice %arg9[%dma_wait3A_140] : memref<4x!tpu.dma_semaphore, #tpu.memory_space<semaphore_mem>> -> memref<1x!tpu.dma_semaphore, #tpu.memory_space<semaphore_mem>>
      %dma_wait3A_152 = tpu.memref_squeeze %dma_wait3A_151 : memref<1x!tpu.dma_semaphore, #tpu.memory_space<semaphore_mem>> -> memref<!tpu.dma_semaphore, #tpu.memory_space<semaphore_mem>>
      tpu.wait_indirect_dma semaphore(%dma_wait3A_152 : memref<!tpu.dma_semaphore, #tpu.memory_space<semaphore_mem>>) src(%dma_wait3A_150 : memref<1000000x64xf32, #tpu.memory_space<hbm>>) dst(%dma_wait3A_144 : memref<128x64xf32, #tpu.memory_space<vmem>>)
      %mul3A_153 = arith.constant 128 : i32
      %mul3A_154 = arith.muli %add3A_138, %mul3A_153 : i32
      %rem3A_155 = arith.constant 200 : i32
      %rem3A_156 = arith.remsi %mul3A_154, %rem3A_155 : i32
      %parallel_loop3A_157 = arith.constant 0 : i32
      %parallel_loop3A_158 = arith.constant 128 : i32
      %parallel_loop3A_159 = arith.constant 1 : i32
      scf.for %parallel_loop3A_211 = %parallel_loop3A_157 to %parallel_loop3A_158 step %parallel_loop3A_159  : i32 {
        %parallel_loop3A_212 = arith.addi %rem3A_156, %parallel_loop3A_211 : i32
        %parallel_loop3A_213 = arith.index_cast %parallel_loop3A_212 : i32 to index
        %parallel_loop3A_214 = arith.constant 0 : index
        %parallel_loop3A_215 = tpu.vector_load %arg7[%parallel_loop3A_213, %parallel_loop3A_214] {strides = array<i32>} : memref<400x64xf32, #tpu.memory_space<vmem>>, vector<1x16xf32>,
        %parallel_loop3A_216 = vector.shape_cast %parallel_loop3A_215 : vector<1x16xf32> to vector<16xf32>
        %parallel_loop3A_217 = arith.constant 2 : i32
        %parallel_loop3A_218 = arith.index_cast %parallel_loop3A_217 : i32 to index
        %parallel_loop3A_219 = arith.index_cast %parallel_loop3A_211 : i32 to index
        %parallel_loop3A_220 = arith.constant 0 : index
        %parallel_loop3A_221 = tpu.vector_load %arg8[%parallel_loop3A_218, %parallel_loop3A_219, %parallel_loop3A_220] {strides = array<i32>} : memref<4x128x64xf32, #tpu.memory_space<vmem>>, vector<1x1x16xf32>,
        %parallel_loop3A_222 = vector.shape_cast %parallel_loop3A_221 : vector<1x1x16xf32> to vector<16xf32>
        %parallel_loop3A_223 = vector.shape_cast %parallel_loop3A_216 : vector<16xf32> to vector<1x1x16xf32>
        tpu.vector_store %arg8[%parallel_loop3A_218, %parallel_loop3A_219, %parallel_loop3A_220], %parallel_loop3A_223 {add = true, strides = array<i32>} : memref<4x128x64xf32, #tpu.memory_space<vmem>>, vector<1x1x16xf32>,
        %parallel_loop3A_224 = arith.addi %rem3A_156, %parallel_loop3A_211 : i32
        %parallel_loop3A_225 = arith.index_cast %parallel_loop3A_224 : i32 to index
        %parallel_loop3A_226 = arith.constant 16 : index
        %parallel_loop3A_227 = tpu.vector_load %arg7[%parallel_loop3A_225, %parallel_loop3A_226] {strides = array<i32>} : memref<400x64xf32, #tpu.memory_space<vmem>>, vector<1x16xf32>,
        %parallel_loop3A_228 = vector.shape_cast %parallel_loop3A_227 : vector<1x16xf32> to vector<16xf32>
        %parallel_loop3A_229 = arith.constant 2 : i32
        %parallel_loop3A_230 = arith.index_cast %parallel_loop3A_229 : i32 to index
        %parallel_loop3A_231 = arith.index_cast %parallel_loop3A_211 : i32 to index
        %parallel_loop3A_232 = arith.constant 16 : index
        %parallel_loop3A_233 = tpu.vector_load %arg8[%parallel_loop3A_230, %parallel_loop3A_231, %parallel_loop3A_232] {strides = array<i32>} : memref<4x128x64xf32, #tpu.memory_space<vmem>>, vector<1x1x16xf32>,
        %parallel_loop3A_234 = vector.shape_cast %parallel_loop3A_233 : vector<1x1x16xf32> to vector<16xf32>
        %parallel_loop3A_235 = vector.shape_cast %parallel_loop3A_228 : vector<16xf32> to vector<1x1x16xf32>
        tpu.vector_store %arg8[%parallel_loop3A_230, %parallel_loop3A_231, %parallel_loop3A_232], %parallel_loop3A_235 {add = true, strides = array<i32>} : memref<4x128x64xf32, #tpu.memory_space<vmem>>, vector<1x1x16xf32>,
        %parallel_loop3A_236 = arith.addi %rem3A_156, %parallel_loop3A_211 : i32
        %parallel_loop3A_237 = arith.index_cast %parallel_loop3A_236 : i32 to index
        %parallel_loop3A_238 = arith.constant 32 : index
        %parallel_loop3A_239 = tpu.vector_load %arg7[%parallel_loop3A_237, %parallel_loop3A_238] {strides = array<i32>} : memref<400x64xf32, #tpu.memory_space<vmem>>, vector<1x16xf32>,
        %parallel_loop3A_240 = vector.shape_cast %parallel_loop3A_239 : vector<1x16xf32> to vector<16xf32>
        %parallel_loop3A_241 = arith.constant 2 : i32
        %parallel_loop3A_242 = arith.index_cast %parallel_loop3A_241 : i32 to index
        %parallel_loop3A_243 = arith.index_cast %parallel_loop3A_211 : i32 to index
        %parallel_loop3A_244 = arith.constant 32 : index
        %parallel_loop3A_245 = tpu.vector_load %arg8[%parallel_loop3A_242, %parallel_loop3A_243, %parallel_loop3A_244] {strides = array<i32>} : memref<4x128x64xf32, #tpu.memory_space<vmem>>, vector<1x1x16xf32>,
        %parallel_loop3A_246 = vector.shape_cast %parallel_loop3A_245 : vector<1x1x16xf32> to vector<16xf32>
        %parallel_loop3A_247 = vector.shape_cast %parallel_loop3A_240 : vector<16xf32> to vector<1x1x16xf32>
        tpu.vector_store %arg8[%parallel_loop3A_242, %parallel_loop3A_243, %parallel_loop3A_244], %parallel_loop3A_247 {add = true, strides = array<i32>} : memref<4x128x64xf32, #tpu.memory_space<vmem>>, vector<1x1x16xf32>,
        %parallel_loop3A_248 = arith.addi %rem3A_156, %parallel_loop3A_211 : i32
        %parallel_loop3A_249 = arith.index_cast %parallel_loop3A_248 : i32 to index
        %parallel_loop3A_250 = arith.constant 48 : index
        %parallel_loop3A_251 = tpu.vector_load %arg7[%parallel_loop3A_249, %parallel_loop3A_250] {strides = array<i32>} : memref<400x64xf32, #tpu.memory_space<vmem>>, vector<1x16xf32>,
        %parallel_loop3A_252 = vector.shape_cast %parallel_loop3A_251 : vector<1x16xf32> to vector<16xf32>
        %parallel_loop3A_253 = arith.constant 2 : i32
        %parallel_loop3A_254 = arith.index_cast %parallel_loop3A_253 : i32 to index
        %parallel_loop3A_255 = arith.index_cast %parallel_loop3A_211 : i32 to index
        %parallel_loop3A_256 = arith.constant 48 : index
        %parallel_loop3A_257 = tpu.vector_load %arg8[%parallel_loop3A_254, %parallel_loop3A_255, %parallel_loop3A_256] {strides = array<i32>} : memref<4x128x64xf32, #tpu.memory_space<vmem>>, vector<1x1x16xf32>,
        %parallel_loop3A_258 = vector.shape_cast %parallel_loop3A_257 : vector<1x1x16xf32> to vector<16xf32>
        %parallel_loop3A_259 = vector.shape_cast %parallel_loop3A_252 : vector<16xf32> to vector<1x1x16xf32>
        tpu.vector_store %arg8[%parallel_loop3A_254, %parallel_loop3A_255, %parallel_loop3A_256], %parallel_loop3A_259 {add = true, strides = array<i32>} : memref<4x128x64xf32, #tpu.memory_space<vmem>>, vector<1x1x16xf32>,
      } {sc.loop_unroll_factor = 8 : i64, sc.parallel_access}
      %mul3A_160 = arith.constant 25600 : i32
      %mul3A_161 = arith.muli %add3A, %mul3A_160 : i32
      %mul3A_162 = arith.constant 128 : i32
      %mul3A_163 = arith.muli %add3A_138, %mul3A_162 : i32
      %add3A_164 = arith.addi %mul3A_161, %mul3A_163 : i32
      %run_scoped3A_165 = arith.constant 2 : i32
      "tpu.region"() ({
        %run_scoped3A_211 = tpu.sem_alloc : memref<!tpu.dma_semaphore, #tpu.memory_space<semaphore_mem>>
        %dma_start3A_212 = arith.constant 0 : i32
        %dma_start3A_213 = arith.constant 0 : i32
        %dma_start3A_214 = tpu.memref_slice %arg8[%run_scoped3A_165, %dma_start3A_212, %dma_start3A_213] : memref<4x128x64xf32, #tpu.memory_space<vmem>> -> memref<1x128x64xf32, #tpu.memory_space<vmem>>
        %dma_start3A_215 = tpu.memref_squeeze %dma_start3A_214 : memref<1x128x64xf32, #tpu.memory_space<vmem>> -> memref<128x64xf32, #tpu.memory_space<vmem>>
        %dma_start3A_216 = arith.constant 0 : i32
        %dma_start3A_217 = tpu.memref_slice %arg5[%add3A_164, %dma_start3A_216] : memref<819200x128xf32, #tpu.memory_space<hbm>> -> memref<128x64xf32, #tpu.memory_space<hbm>>
        %dma_start3A_218 = arith.constant 0 : i32
        %dma_start3A_219 = tpu.memref_slice %arg5[%add3A_164, %dma_start3A_218] : memref<819200x128xf32, #tpu.memory_space<hbm>> -> memref<128x64xf32, #tpu.memory_space<hbm>>
        %dma_start3A_220 = arith.constant 0 : i32
        %dma_start3A_221 = arith.constant 0 : i32
        %dma_start3A_222 = tpu.memref_slice %arg8[%run_scoped3A_165, %dma_start3A_220, %dma_start3A_221] : memref<4x128x64xf32, #tpu.memory_space<vmem>> -> memref<1x128x64xf32, #tpu.memory_space<vmem>>
        %dma_start3A_223 = tpu.memref_squeeze %dma_start3A_222 : memref<1x128x64xf32, #tpu.memory_space<vmem>> -> memref<128x64xf32, #tpu.memory_space<vmem>>
        tpu.enqueue_dma source(%dma_start3A_223 : memref<128x64xf32, #tpu.memory_space<vmem>>) target(%dma_start3A_219 : memref<128x64xf32, #tpu.memory_space<hbm>>) target_semaphore(%run_scoped3A_211 : memref<!tpu.dma_semaphore, #tpu.memory_space<semaphore_mem>>)
        %dma_wait3A_224 = arith.constant 0 : i32
        %dma_wait3A_225 = arith.constant 0 : i32
        %dma_wait3A_226 = tpu.memref_slice %arg8[%run_scoped3A_165, %dma_wait3A_224, %dma_wait3A_225] : memref<4x128x64xf32, #tpu.memory_space<vmem>> -> memref<1x128x64xf32, #tpu.memory_space<vmem>>
        %dma_wait3A_227 = tpu.memref_squeeze %dma_wait3A_226 : memref<1x128x64xf32, #tpu.memory_space<vmem>> -> memref<128x64xf32, #tpu.memory_space<vmem>>
        %dma_wait3A_228 = arith.constant 0 : i32
        %dma_wait3A_229 = tpu.memref_slice %arg5[%add3A_164, %dma_wait3A_228] : memref<819200x128xf32, #tpu.memory_space<hbm>> -> memref<128x64xf32, #tpu.memory_space<hbm>>
        %dma_wait3A_230 = arith.constant 0 : i32
        %dma_wait3A_231 = tpu.memref_slice %arg5[%add3A_164, %dma_wait3A_230] : memref<819200x128xf32, #tpu.memory_space<hbm>> -> memref<128x64xf32, #tpu.memory_space<hbm>>
        %dma_wait3A_232 = arith.constant 0 : i32
        %dma_wait3A_233 = arith.constant 0 : i32
        %dma_wait3A_234 = tpu.memref_slice %arg8[%run_scoped3A_165, %dma_wait3A_232, %dma_wait3A_233] : memref<4x128x64xf32, #tpu.memory_space<vmem>> -> memref<1x128x64xf32, #tpu.memory_space<vmem>>
        %dma_wait3A_235 = tpu.memref_squeeze %dma_wait3A_234 : memref<1x128x64xf32, #tpu.memory_space<vmem>> -> memref<128x64xf32, #tpu.memory_space<vmem>>
        tpu.wait_dma2 semaphore(%run_scoped3A_211 : memref<!tpu.dma_semaphore, #tpu.memory_space<semaphore_mem>>) src(%dma_wait3A_235 : memref<128x64xf32, #tpu.memory_space<vmem>>) dst(%dma_wait3A_231 : memref<128x64xf32, #tpu.memory_space<hbm>>)
        tpu.yield
      }) : () -> ()
      %add3A_166 = arith.constant 4 : i32
      %add3A_167 = arith.addi %add3A_138, %add3A_166 : i32
      %lt3A_168 = arith.constant 200 : i32
      %lt3A_169 = arith.cmpi slt, %add3A_167, %lt3A_168 : i32
      %convert_element_type3A_170 = arith.extui %lt3A_169 : i1 to i32
      %cond3A_171 = arith.constant 0 : i32
      %cond3A_172 = arith.cmpi ne, %convert_element_type3A_170, %cond3A_171 : i32
      scf.if %cond3A_172 {
        %dma_start3A_211 = arith.constant 2 : i32
        %dma_start3A_212 = arith.constant 2 : i32
        %dma_start3A_213 = arith.constant 0 : i32
        %dma_start3A_214 = arith.constant 0 : i32
        %dma_start3A_215 = tpu.memref_slice %arg8[%dma_start3A_211, %dma_start3A_213, %dma_start3A_214] : memref<4x128x64xf32, #tpu.memory_space<vmem>> -> memref<1x128x64xf32, #tpu.memory_space<vmem>>
        %dma_start3A_216 = tpu.memref_squeeze %dma_start3A_215 : memref<1x128x64xf32, #tpu.memory_space<vmem>> -> memref<128x64xf32, #tpu.memory_space<vmem>>
        %dma_start3A_217 = arith.constant 0 : i32
        %dma_start3A_218 = tpu.memref_slice %arg6[%add3A_167, %dma_start3A_217] : memref<200x128xi32, #tpu.memory_space<vmem>> -> memref<1x128xi32, #tpu.memory_space<vmem>>
        %dma_start3A_219 = tpu.memref_squeeze %dma_start3A_218 : memref<1x128xi32, #tpu.memory_space<vmem>> -> memref<128xi32, #tpu.memory_space<vmem>>
        %dma_start3A_220 = arith.constant 0 : i32
        %dma_start3A_221 = arith.constant 0 : i32
        %dma_start3A_222 = tpu.memref_slice %arg3[%dma_start3A_220, %dma_start3A_221] : memref<1000000x64xf32, #tpu.memory_space<hbm>> -> memref<1000000x64xf32, #tpu.memory_space<hbm>>
        %dma_start3A_223 = tpu.memref_slice %arg9[%dma_start3A_212] : memref<4x!tpu.dma_semaphore, #tpu.memory_space<semaphore_mem>> -> memref<1x!tpu.dma_semaphore, #tpu.memory_space<semaphore_mem>>
        %dma_start3A_224 = tpu.memref_squeeze %dma_start3A_223 : memref<1x!tpu.dma_semaphore, #tpu.memory_space<semaphore_mem>> -> memref<!tpu.dma_semaphore, #tpu.memory_space<semaphore_mem>>
        tpu.enqueue_indirect_dma source(%dma_start3A_222 : memref<1000000x64xf32, #tpu.memory_space<hbm>>) target(%dma_start3A_216 : memref<128x64xf32, #tpu.memory_space<vmem>>) offsets(%dma_start3A_219 : memref<128xi32, #tpu.memory_space<vmem>>) semaphore(%dma_start3A_224 : memref<!tpu.dma_semaphore, #tpu.memory_space<semaphore_mem>>)
      } else {
      }
      %mul3A_173 = arith.constant 4 : i32
      %mul3A_174 = arith.muli %scan3A_65, %mul3A_173 : i32
      %add3A_175 = arith.constant 3 : i32
      %add3A_176 = arith.addi %mul3A_174, %add3A_175 : i32
      %dma_wait3A_177 = arith.constant 3 : i32
      %dma_wait3A_178 = arith.constant 3 : i32
      %dma_wait3A_179 = arith.constant 0 : i32
      %dma_wait3A_180 = arith.constant 0 : i32
      %dma_wait3A_181 = tpu.memref_slice %arg8[%dma_wait3A_177, %dma_wait3A_179, %dma_wait3A_180] : memref<4x128x64xf32, #tpu.memory_space<vmem>> -> memref<1x128x64xf32, #tpu.memory_space<vmem>>
      %dma_wait3A_182 = tpu.memref_squeeze %dma_wait3A_181 : memref<1x128x64xf32, #tpu.memory_space<vmem>> -> memref<128x64xf32, #tpu.memory_space<vmem>>
      %dma_wait3A_183 = arith.constant 0 : i32
      %dma_wait3A_184 = tpu.memref_slice %arg6[%add3A_176, %dma_wait3A_183] : memref<200x128xi32, #tpu.memory_space<vmem>> -> memref<1x128xi32, #tpu.memory_space<vmem>>
      %dma_wait3A_185 = tpu.memref_squeeze %dma_wait3A_184 : memref<1x128xi32, #tpu.memory_space<vmem>> -> memref<128xi32, #tpu.memory_space<vmem>>
      %dma_wait3A_186 = arith.constant 0 : i32
      %dma_wait3A_187 = arith.constant 0 : i32
      %dma_wait3A_188 = tpu.memref_slice %arg3[%dma_wait3A_186, %dma_wait3A_187] : memref<1000000x64xf32, #tpu.memory_space<hbm>> -> memref<1000000x64xf32, #tpu.memory_space<hbm>>
      %dma_wait3A_189 = tpu.memref_slice %arg9[%dma_wait3A_178] : memref<4x!tpu.dma_semaphore, #tpu.memory_space<semaphore_mem>> -> memref<1x!tpu.dma_semaphore, #tpu.memory_space<semaphore_mem>>
      %dma_wait3A_190 = tpu.memref_squeeze %dma_wait3A_189 : memref<1x!tpu.dma_semaphore, #tpu.memory_space<semaphore_mem>> -> memref<!tpu.dma_semaphore, #tpu.memory_space<semaphore_mem>>
      tpu.wait_indirect_dma semaphore(%dma_wait3A_190 : memref<!tpu.dma_semaphore, #tpu.memory_space<semaphore_mem>>) src(%dma_wait3A_188 : memref<1000000x64xf32, #tpu.memory_space<hbm>>) dst(%dma_wait3A_182 : memref<128x64xf32, #tpu.memory_space<vmem>>)
      %mul3A_191 = arith.constant 128 : i32
      %mul3A_192 = arith.muli %add3A_176, %mul3A_191 : i32
      %rem3A_193 = arith.constant 200 : i32
      %rem3A_194 = arith.remsi %mul3A_192, %rem3A_193 : i32
      %parallel_loop3A_195 = arith.constant 0 : i32
      %parallel_loop3A_196 = arith.constant 128 : i32
      %parallel_loop3A_197 = arith.constant 1 : i32
      scf.for %parallel_loop3A_211 = %parallel_loop3A_195 to %parallel_loop3A_196 step %parallel_loop3A_197  : i32 {
        %parallel_loop3A_212 = arith.addi %rem3A_194, %parallel_loop3A_211 : i32
        %parallel_loop3A_213 = arith.index_cast %parallel_loop3A_212 : i32 to index
        %parallel_loop3A_214 = arith.constant 0 : index
        %parallel_loop3A_215 = tpu.vector_load %arg7[%parallel_loop3A_213, %parallel_loop3A_214] {strides = array<i32>} : memref<400x64xf32, #tpu.memory_space<vmem>>, vector<1x16xf32>,
        %parallel_loop3A_216 = vector.shape_cast %parallel_loop3A_215 : vector<1x16xf32> to vector<16xf32>
        %parallel_loop3A_217 = arith.constant 3 : i32
        %parallel_loop3A_218 = arith.index_cast %parallel_loop3A_217 : i32 to index
        %parallel_loop3A_219 = arith.index_cast %parallel_loop3A_211 : i32 to index
        %parallel_loop3A_220 = arith.constant 0 : index
        %parallel_loop3A_221 = tpu.vector_load %arg8[%parallel_loop3A_218, %parallel_loop3A_219, %parallel_loop3A_220] {strides = array<i32>} : memref<4x128x64xf32, #tpu.memory_space<vmem>>, vector<1x1x16xf32>,
        %parallel_loop3A_222 = vector.shape_cast %parallel_loop3A_221 : vector<1x1x16xf32> to vector<16xf32>
        %parallel_loop3A_223 = vector.shape_cast %parallel_loop3A_216 : vector<16xf32> to vector<1x1x16xf32>
        tpu.vector_store %arg8[%parallel_loop3A_218, %parallel_loop3A_219, %parallel_loop3A_220], %parallel_loop3A_223 {add = true, strides = array<i32>} : memref<4x128x64xf32, #tpu.memory_space<vmem>>, vector<1x1x16xf32>,
        %parallel_loop3A_224 = arith.addi %rem3A_194, %parallel_loop3A_211 : i32
        %parallel_loop3A_225 = arith.index_cast %parallel_loop3A_224 : i32 to index
        %parallel_loop3A_226 = arith.constant 16 : index
        %parallel_loop3A_227 = tpu.vector_load %arg7[%parallel_loop3A_225, %parallel_loop3A_226] {strides = array<i32>} : memref<400x64xf32, #tpu.memory_space<vmem>>, vector<1x16xf32>,
        %parallel_loop3A_228 = vector.shape_cast %parallel_loop3A_227 : vector<1x16xf32> to vector<16xf32>
        %parallel_loop3A_229 = arith.constant 3 : i32
        %parallel_loop3A_230 = arith.index_cast %parallel_loop3A_229 : i32 to index
        %parallel_loop3A_231 = arith.index_cast %parallel_loop3A_211 : i32 to index
        %parallel_loop3A_232 = arith.constant 16 : index
        %parallel_loop3A_233 = tpu.vector_load %arg8[%parallel_loop3A_230, %parallel_loop3A_231, %parallel_loop3A_232] {strides = array<i32>} : memref<4x128x64xf32, #tpu.memory_space<vmem>>, vector<1x1x16xf32>,
        %parallel_loop3A_234 = vector.shape_cast %parallel_loop3A_233 : vector<1x1x16xf32> to vector<16xf32>
        %parallel_loop3A_235 = vector.shape_cast %parallel_loop3A_228 : vector<16xf32> to vector<1x1x16xf32>
        tpu.vector_store %arg8[%parallel_loop3A_230, %parallel_loop3A_231, %parallel_loop3A_232], %parallel_loop3A_235 {add = true, strides = array<i32>} : memref<4x128x64xf32, #tpu.memory_space<vmem>>, vector<1x1x16xf32>,
        %parallel_loop3A_236 = arith.addi %rem3A_194, %parallel_loop3A_211 : i32
        %parallel_loop3A_237 = arith.index_cast %parallel_loop3A_236 : i32 to index
        %parallel_loop3A_238 = arith.constant 32 : index
        %parallel_loop3A_239 = tpu.vector_load %arg7[%parallel_loop3A_237, %parallel_loop3A_238] {strides = array<i32>} : memref<400x64xf32, #tpu.memory_space<vmem>>, vector<1x16xf32>,
        %parallel_loop3A_240 = vector.shape_cast %parallel_loop3A_239 : vector<1x16xf32> to vector<16xf32>
        %parallel_loop3A_241 = arith.constant 3 : i32
        %parallel_loop3A_242 = arith.index_cast %parallel_loop3A_241 : i32 to index
        %parallel_loop3A_243 = arith.index_cast %parallel_loop3A_211 : i32 to index
        %parallel_loop3A_244 = arith.constant 32 : index
        %parallel_loop3A_245 = tpu.vector_load %arg8[%parallel_loop3A_242, %parallel_loop3A_243, %parallel_loop3A_244] {strides = array<i32>} : memref<4x128x64xf32, #tpu.memory_space<vmem>>, vector<1x1x16xf32>,
        %parallel_loop3A_246 = vector.shape_cast %parallel_loop3A_245 : vector<1x1x16xf32> to vector<16xf32>
        %parallel_loop3A_247 = vector.shape_cast %parallel_loop3A_240 : vector<16xf32> to vector<1x1x16xf32>
        tpu.vector_store %arg8[%parallel_loop3A_242, %parallel_loop3A_243, %parallel_loop3A_244], %parallel_loop3A_247 {add = true, strides = array<i32>} : memref<4x128x64xf32, #tpu.memory_space<vmem>>, vector<1x1x16xf32>,
        %parallel_loop3A_248 = arith.addi %rem3A_194, %parallel_loop3A_211 : i32
        %parallel_loop3A_249 = arith.index_cast %parallel_loop3A_248 : i32 to index
        %parallel_loop3A_250 = arith.constant 48 : index
        %parallel_loop3A_251 = tpu.vector_load %arg7[%parallel_loop3A_249, %parallel_loop3A_250] {strides = array<i32>} : memref<400x64xf32, #tpu.memory_space<vmem>>, vector<1x16xf32>,
        %parallel_loop3A_252 = vector.shape_cast %parallel_loop3A_251 : vector<1x16xf32> to vector<16xf32>
        %parallel_loop3A_253 = arith.constant 3 : i32
        %parallel_loop3A_254 = arith.index_cast %parallel_loop3A_253 : i32 to index
        %parallel_loop3A_255 = arith.index_cast %parallel_loop3A_211 : i32 to index
        %parallel_loop3A_256 = arith.constant 48 : index
        %parallel_loop3A_257 = tpu.vector_load %arg8[%parallel_loop3A_254, %parallel_loop3A_255, %parallel_loop3A_256] {strides = array<i32>} : memref<4x128x64xf32, #tpu.memory_space<vmem>>, vector<1x1x16xf32>,
        %parallel_loop3A_258 = vector.shape_cast %parallel_loop3A_257 : vector<1x1x16xf32> to vector<16xf32>
        %parallel_loop3A_259 = vector.shape_cast %parallel_loop3A_252 : vector<16xf32> to vector<1x1x16xf32>
        tpu.vector_store %arg8[%parallel_loop3A_254, %parallel_loop3A_255, %parallel_loop3A_256], %parallel_loop3A_259 {add = true, strides = array<i32>} : memref<4x128x64xf32, #tpu.memory_space<vmem>>, vector<1x1x16xf32>,
      } {sc.loop_unroll_factor = 8 : i64, sc.parallel_access}
      %mul3A_198 = arith.constant 25600 : i32
      %mul3A_199 = arith.muli %add3A, %mul3A_198 : i32
      %mul3A_200 = arith.constant 128 : i32
      %mul3A_201 = arith.muli %add3A_176, %mul3A_200 : i32
      %add3A_202 = arith.addi %mul3A_199, %mul3A_201 : i32
      %run_scoped3A_203 = arith.constant 3 : i32
      "tpu.region"() ({
        %run_scoped3A_211 = tpu.sem_alloc : memref<!tpu.dma_semaphore, #tpu.memory_space<semaphore_mem>>
        %dma_start3A_212 = arith.constant 0 : i32
        %dma_start3A_213 = arith.constant 0 : i32
        %dma_start3A_214 = tpu.memref_slice %arg8[%run_scoped3A_203, %dma_start3A_212, %dma_start3A_213] : memref<4x128x64xf32, #tpu.memory_space<vmem>> -> memref<1x128x64xf32, #tpu.memory_space<vmem>>
        %dma_start3A_215 = tpu.memref_squeeze %dma_start3A_214 : memref<1x128x64xf32, #tpu.memory_space<vmem>> -> memref<128x64xf32, #tpu.memory_space<vmem>>
        %dma_start3A_216 = arith.constant 0 : i32
        %dma_start3A_217 = tpu.memref_slice %arg5[%add3A_202, %dma_start3A_216] : memref<819200x128xf32, #tpu.memory_space<hbm>> -> memref<128x64xf32, #tpu.memory_space<hbm>>
        %dma_start3A_218 = arith.constant 0 : i32
        %dma_start3A_219 = tpu.memref_slice %arg5[%add3A_202, %dma_start3A_218] : memref<819200x128xf32, #tpu.memory_space<hbm>> -> memref<128x64xf32, #tpu.memory_space<hbm>>
        %dma_start3A_220 = arith.constant 0 : i32
        %dma_start3A_221 = arith.constant 0 : i32
        %dma_start3A_222 = tpu.memref_slice %arg8[%run_scoped3A_203, %dma_start3A_220, %dma_start3A_221] : memref<4x128x64xf32, #tpu.memory_space<vmem>> -> memref<1x128x64xf32, #tpu.memory_space<vmem>>
        %dma_start3A_223 = tpu.memref_squeeze %dma_start3A_222 : memref<1x128x64xf32, #tpu.memory_space<vmem>> -> memref<128x64xf32, #tpu.memory_space<vmem>>
        tpu.enqueue_dma source(%dma_start3A_223 : memref<128x64xf32, #tpu.memory_space<vmem>>) target(%dma_start3A_219 : memref<128x64xf32, #tpu.memory_space<hbm>>) target_semaphore(%run_scoped3A_211 : memref<!tpu.dma_semaphore, #tpu.memory_space<semaphore_mem>>)
        %dma_wait3A_224 = arith.constant 0 : i32
        %dma_wait3A_225 = arith.constant 0 : i32
        %dma_wait3A_226 = tpu.memref_slice %arg8[%run_scoped3A_203, %dma_wait3A_224, %dma_wait3A_225] : memref<4x128x64xf32, #tpu.memory_space<vmem>> -> memref<1x128x64xf32, #tpu.memory_space<vmem>>
        %dma_wait3A_227 = tpu.memref_squeeze %dma_wait3A_226 : memref<1x128x64xf32, #tpu.memory_space<vmem>> -> memref<128x64xf32, #tpu.memory_space<vmem>>
        %dma_wait3A_228 = arith.constant 0 : i32
        %dma_wait3A_229 = tpu.memref_slice %arg5[%add3A_202, %dma_wait3A_228] : memref<819200x128xf32, #tpu.memory_space<hbm>> -> memref<128x64xf32, #tpu.memory_space<hbm>>
        %dma_wait3A_230 = arith.constant 0 : i32
        %dma_wait3A_231 = tpu.memref_slice %arg5[%add3A_202, %dma_wait3A_230] : memref<819200x128xf32, #tpu.memory_space<hbm>> -> memref<128x64xf32, #tpu.memory_space<hbm>>
        %dma_wait3A_232 = arith.constant 0 : i32
        %dma_wait3A_233 = arith.constant 0 : i32
        %dma_wait3A_234 = tpu.memref_slice %arg8[%run_scoped3A_203, %dma_wait3A_232, %dma_wait3A_233] : memref<4x128x64xf32, #tpu.memory_space<vmem>> -> memref<1x128x64xf32, #tpu.memory_space<vmem>>
        %dma_wait3A_235 = tpu.memref_squeeze %dma_wait3A_234 : memref<1x128x64xf32, #tpu.memory_space<vmem>> -> memref<128x64xf32, #tpu.memory_space<vmem>>
        tpu.wait_dma2 semaphore(%run_scoped3A_211 : memref<!tpu.dma_semaphore, #tpu.memory_space<semaphore_mem>>) src(%dma_wait3A_235 : memref<128x64xf32, #tpu.memory_space<vmem>>) dst(%dma_wait3A_231 : memref<128x64xf32, #tpu.memory_space<hbm>>)
        tpu.yield
      }) : () -> ()
      %add3A_204 = arith.constant 4 : i32
      %add3A_205 = arith.addi %add3A_176, %add3A_204 : i32
      %lt3A_206 = arith.constant 200 : i32
      %lt3A_207 = arith.cmpi slt, %add3A_205, %lt3A_206 : i32
      %convert_element_type3A_208 = arith.extui %lt3A_207 : i1 to i32
      %cond3A_209 = arith.constant 0 : i32
      %cond3A_210 = arith.cmpi ne, %convert_element_type3A_208, %cond3A_209 : i32
      scf.if %cond3A_210 {
        %dma_start3A_211 = arith.constant 3 : i32
        %dma_start3A_212 = arith.constant 3 : i32
        %dma_start3A_213 = arith.constant 0 : i32
        %dma_start3A_214 = arith.constant 0 : i32
        %dma_start3A_215 = tpu.memref_slice %arg8[%dma_start3A_211, %dma_start3A_213, %dma_start3A_214] : memref<4x128x64xf32, #tpu.memory_space<vmem>> -> memref<1x128x64xf32, #tpu.memory_space<vmem>>
        %dma_start3A_216 = tpu.memref_squeeze %dma_start3A_215 : memref<1x128x64xf32, #tpu.memory_space<vmem>> -> memref<128x64xf32, #tpu.memory_space<vmem>>
        %dma_start3A_217 = arith.constant 0 : i32
        %dma_start3A_218 = tpu.memref_slice %arg6[%add3A_205, %dma_start3A_217] : memref<200x128xi32, #tpu.memory_space<vmem>> -> memref<1x128xi32, #tpu.memory_space<vmem>>
        %dma_start3A_219 = tpu.memref_squeeze %dma_start3A_218 : memref<1x128xi32, #tpu.memory_space<vmem>> -> memref<128xi32, #tpu.memory_space<vmem>>
        %dma_start3A_220 = arith.constant 0 : i32
        %dma_start3A_221 = arith.constant 0 : i32
        %dma_start3A_222 = tpu.memref_slice %arg3[%dma_start3A_220, %dma_start3A_221] : memref<1000000x64xf32, #tpu.memory_space<hbm>> -> memref<1000000x64xf32, #tpu.memory_space<hbm>>
        %dma_start3A_223 = tpu.memref_slice %arg9[%dma_start3A_212] : memref<4x!tpu.dma_semaphore, #tpu.memory_space<semaphore_mem>> -> memref<1x!tpu.dma_semaphore, #tpu.memory_space<semaphore_mem>>
        %dma_start3A_224 = tpu.memref_squeeze %dma_start3A_223 : memref<1x!tpu.dma_semaphore, #tpu.memory_space<semaphore_mem>> -> memref<!tpu.dma_semaphore, #tpu.memory_space<semaphore_mem>>
        tpu.enqueue_indirect_dma source(%dma_start3A_222 : memref<1000000x64xf32, #tpu.memory_space<hbm>>) target(%dma_start3A_216 : memref<128x64xf32, #tpu.memory_space<vmem>>) offsets(%dma_start3A_219 : memref<128xi32, #tpu.memory_space<vmem>>) semaphore(%dma_start3A_224 : memref<!tpu.dma_semaphore, #tpu.memory_space<semaphore_mem>>)
      } else {
      }
    }
    %scan3A_64 = arith.constant 50 : i32
    return
  }
}

</mosaic_0001>

<sc_bundles>
// kernel: kernel.3.cloned.1.call-start
scs
__scs_entry_jumppad:
0x0: {  	(pc) =	sbr.rel $0x88, $3  }
0x1: {  	(tag) =	ssettag $0x0;
	lr =	simm.s32 $0x1  }
0x2: {  	[smem:$0x3F9E] =	sst lr;
	_ =	strace $0xD0000000  }
0x3: {  	_ = 	snop  }
0x4: {  	_ = 	snop  }
0x5: {  	_ = 	snop  }
0x6: {  	_ = 	snop  }
0x7: {  	_ = 	snop  }
__scs_overlays_trampoline_lowered:
0x8: {  	[smem:$0x3FAD] =	sst s0  }
0x9: {  	[smem:$0x3FAE] =	sst s1  }
0xa: {  	[smem:$0x3FAF] =	sst s2  }
0xb: {  	[smem:$0x3FB0] =	sst s3  }
0xc: {  	[smem:$0x3FB1] =	sst s4  }
0xd: {  	[smem:$0x3FB2] =	sst s5  }
0xe: {  	[smem:$0x3FB3] =	sst s6  }
0xf: {  	[smem:$0x3FB4] =	sst s7  }
0x10: {  	[smem:$0x3FB5] =	sst s8  }
0x11: {  	[smem:$0x3FB6] =	sst s9;
	s0 =	simm.s32 @!p0 $0x0  }
0x12: {  	s1 =	sld [smem:$0x3F9C];
	s0 =	simm.s32 @p0 $0x1  }
0x13: {  	[smem:$0x3FB7] =	sst s0;
	s0 =	simm.s32 @!p1 $0x0  }
0x14: {  	s2 =	sld [smem:$0x3F9B];
	s0 =	simm.s32 @p1 $0x1  }
0x15: {  	[smem:$0x3FB8] =	sst s0;
	s0 =	simm.s32 @!p2 $0x0  }
0x16: {  	s3 =	sld [smem:$0x3FDB];
	s0 =	simm.s32 @p2 $0x1  }
0x17: {  	s4 =	simm.s32 $0x1BF5;
	[smem:$0x3FBA] =	sst s0  }
0x18: {  	s0 =	sld [smem:$0x3F9D];
	_ =	swait.ge [sflag:s4], $0x0  }
0x19: {  	s7 =	sld [smem:$0x3F9E]  }
0x1a: {  	s8 =	sadd.s32 $0xFFFFE003, lr  }
0x1b: {  	s9 =	sadd.s32 $0xFFFFFEF7, lr;
	s5 =	simm.s32 $0xFFFFFFFF;
	p2 =	slt.u32 s8, $0xFFFFF086  }
0x1c: {  	p1 =	slt.u32 s9, $0xF7A;
	s5 =	simm.s32 @!p2 $0x0  }
0x1d: {  	s5 =	simm.s32 @p1 $0x1;
	p0 =	seq.s32 s7, s2  }
0x1e: {  	s7 =	smul.u32 @!p0 $0xF7A, s2;
	p2 =	seq.s32 @!p0 s5, $0x0  }
0x1f: {  	s9 =	smul.u32 $0xF7A, s1;
	s8 =	simm.s32 @!p0 $0x1BF5;
	p2 =	por !p2, p0  }
0x20: {  	[sflag:s8] =	ssyncset.s32 @!p0 $0xFFFFF086;
	s6 =	sadd.s32 @!p0 s3, s7;
	s7 =	simm.s32 @!p0 $0x108  }
0x21: {  	s3 =	sadd.s32 s3, s9;
	s6 =	sadd.s32 @!p0 $0x88, s6;
	s7 =	simm.s32 @p2 $0x1082  }
0x22: {  	[simem:s7], [sflag:s8] =	dma.local @!p0 [hbm:s6], $0xF7A  }
0x23: {  	s9 =	sor.u32 $0xD0000000, s2;
	s6 =	simm.s32 $0x108;
	_ =	swait.ge @!p0 [sflag:s8], $0x0  }
0x24: {  	s3 =	sadd.s32 $0x88, s3;
	s6 =	simm.s32 @!p1 $0x1082;
	[sflag:s4] =	ssyncset.s32 $0xFFFFF086  }
0x25: {  	[simem:s6], [sflag:s4] =	dma.local [hbm:s3], $0xF7A  }
0x26: {  	[smem:$0x3F9E] =	sst s1;
	(tag) =	ssettag s2;
	_ =	strace s9  }
0x27: {  	s1 =	sld [smem:$0x3FAE]  }
0x28: {  	s2 =	sld [smem:$0x3FAF]  }
0x29: {  	s4 =	sld [smem:$0x3FB1]  }
0x2a: {  	p0 =	seq.s32 s5, $0x0;
	s5 =	sld [smem:$0x3FB2]  }
0x2b: {  	s6 =	sld [smem:$0x3FB3]  }
0x2c: {  	s7 =	sld [smem:$0x3FB4]  }
0x2d: {  	s3 =	simm.s32 $0x108;
	s8 =	sld [smem:$0x3FB5]  }
0x2e: {  	s3 =	simm.s32 @!p0 $0x1082;
	s9 =	sld [smem:$0x3FB6]  }
0x2f: {  	lr =	sadd.s32 s0, s3;
	s0 =	sld [smem:$0x3FAD]  }
0x30: {  	s3 =	sld [smem:$0x3FB0]  }
0x31: {  	[smem:$0x3FB9] =	sst s10  }
0x32: {  	s10 =	sld [smem:$0x3FB7];
	_ =	sdelay $0x3  }
0x33: {  	p0 =	seq.s32 s10, $0x1;
	s10 =	sld [smem:$0x3FB9];
	_ =	sdelay $0x3  }
0x34: {  	[smem:$0x3FB9] =	sst s10  }
0x35: {  	s10 =	sld [smem:$0x3FB8];
	_ =	sdelay $0x3  }
0x36: {  	p1 =	seq.s32 s10, $0x1;
	s10 =	sld [smem:$0x3FB9];
	_ =	sdelay $0x3  }
0x37: {  	[smem:$0x3FB9] =	sst s10  }
0x38: {  	s10 =	sld [smem:$0x3FBA]  }
0x39: {  	_ = 	snop;
	(pc) =	sbr.ind lr, $3  }
0x3a: {  	_ = 	snop  }
0x3b: {  	_ = 	snop  }
0x3c: {  	p2 =	seq.s32 s10, $0x1;
	s10 =	sld [smem:$0x3FB9]  }
0x3d: {  	_ =	shalt  }
0x3e: {  	_ =	shalt  }
0x3f: {  	_ =	shalt  }
0x40: {  	_ =	shalt  }
0x41: {  	_ =	shalt  }
0x42: {  	_ =	shalt  }
0x43: {  	_ =	shalt  }
0x44: {  	_ =	shalt  }
0x45: {  	_ =	shalt  }
0x46: {  	_ =	shalt  }
0x47: {  	_ =	shalt  }
0x48: {  	_ =	shalt  }
0x49: {  	_ =	shalt  }
0x4a: {  	_ =	shalt  }
0x4b: {  	_ =	shalt  }
0x4c: {  	_ =	shalt  }
0x4d: {  	_ =	shalt  }
0x4e: {  	_ =	shalt  }
0x4f: {  	_ =	shalt  }
0x50: {  	_ =	shalt  }
0x51: {  	_ =	shalt  }
0x52: {  	_ =	shalt  }
0x53: {  	_ =	shalt  }
0x54: {  	_ =	shalt  }
0x55: {  	_ =	shalt  }
0x56: {  	_ =	shalt  }
0x57: {  	_ =	shalt  }
0x58: {  	_ =	shalt  }
0x59: {  	_ =	shalt  }
0x5a: {  	_ =	shalt  }
0x5b: {  	_ =	shalt  }
0x5c: {  	_ =	shalt  }
0x5d: {  	_ =	shalt  }
0x5e: {  	_ =	shalt  }
0x5f: {  	_ =	shalt  }
0x60: {  	_ =	shalt  }
0x61: {  	_ =	shalt  }
0x62: {  	_ =	shalt  }
0x63: {  	_ =	shalt  }
0x64: {  	_ =	shalt  }
0x65: {  	_ =	shalt  }
0x66: {  	_ =	shalt  }
0x67: {  	_ =	shalt  }
0x68: {  	_ =	shalt  }
0x69: {  	_ =	shalt  }
0x6a: {  	_ =	shalt  }
0x6b: {  	_ =	shalt  }
0x6c: {  	_ =	shalt  }
0x6d: {  	_ =	shalt  }
0x6e: {  	_ =	shalt  }
0x6f: {  	_ =	shalt  }
0x70: {  	_ =	shalt  }
0x71: {  	_ =	shalt  }
0x72: {  	_ =	shalt  }
0x73: {  	_ =	shalt  }
0x74: {  	_ =	shalt  }
0x75: {  	_ =	shalt  }
0x76: {  	_ =	shalt  }
0x77: {  	_ =	shalt  }
0x78: {  	_ =	shalt  }
0x79: {  	_ =	shalt  }
0x7a: {  	_ =	shalt  }
0x7b: {  	_ =	shalt  }
0x7c: {  	_ =	shalt  }
0x7d: {  	_ =	shalt  }
0x7e: {  	_ =	shalt  }
0x7f: {  	_ =	shalt  }
0x80: {  	_ =	shalt  }
0x81: {  	_ =	shalt  }
0x82: {  	_ =	shalt  }
0x83: {  	_ =	shalt  }
0x84: {  	_ =	shalt  }
0x85: {  	_ =	shalt  }
0x86: {  	_ =	shalt  }
0x87: {  	_ =	shalt  }
.Lfunc_end0:
.L_simem_size_0:
called_computation.1_lowered:
.L_overlay_start_0:
0x88: {  	s2 =	sld [smem:$0x3FD9]  }
0x89: {  	s3 =	sld [smem:$0x3FFE];
	_ =	sdelay $0x1  }
0x8a: {  	s1 =	srdreg.scid  }
0x8b: {  	s0 =	sand.u32 $0x1, s1  }
0x8c: {  	s17 =	sshll.u32 s0, $0xA;
	s2 =	sadd.s32 s3, s2  }
0x8d: {  	s2 =	sadd.s32 s2, s17  }
0x8e: {  	[smem:$0x3FC5] =	sst s2  }
0x8f: {  	_ = 	snop  }
0x90: {  	s2 =	sld [smem:$0x3FD0];
	(tm) =	ssettm $0x1  }
0x91: {  	s18 =	sld [smem:$0x3FFB];
	_ =	sdelay $0x3  }
0x92: {  	_ =	strace s18  }
0x93: {  	s3 =	sld [smem:$0x3FFC];
	_ =	sdelay $0x3  }
0x94: {  	_ =	strace s3  }
0x95: {  	s3 =	sld [smem:$0x3FFD];
	_ =	sdelay $0x3  }
0x96: {  	_ =	strace s3  }
0x97: {  	_ =	strace $0x8FFFFFFF  }
0x98: {  	s19 =	sld [smem:$0x3FDB];
	_ =	sdelay $0x1  }
0x99: {  	s4 =	simm.s32 $_scs_section_size  }
0x9a: {  	s5 =	simm.s32 $_size__tile_overlayer_lowered;
	s6 =	simm.s32 $_tile_overlayer_lowered  }
0x9b: {  	s22 =	simm.s32 $0x1BFF;
	s21 =	sshll.u32 s6, $0x1;
	s3 =	sadd.s32 s4, s19  }
0x9c: {  	s7 =	simm.s32 $0x0;
	s20 =	sshll.u32 s5, $0x1;
	s5 =	sadd.s32 s21, s3  }
0x9d: {  	[timem:s7], [sflag:s22] =	dma.local [hbm:s5], s20  }
0x9e: {  	_ =	swait.ge [sflag:s22], s20  }
0x9f: {  	s4 =	ssub.s32 $0x0, s20;
	[sflag:s22] =	ssyncset.done $0x0  }
0xa0: {  	[sflag:s22] =	ssyncadd.s32 s4;
	_ =	sdelay $0x1  }
0xa1: {  	s23 =	simm.s32 $0x1B8B  }
0xa2: {  	_ =	swait.ge [sflag:s23], $0x1  }
0xa3: {  	[sflag:s23] =	ssyncset.done $0x0  }
0xa4: {  	s25 =	simm.s32 $0x1B8E;
	s24 =	sld [smem:$0x3FFE];
	[sflag:s23] =	ssyncadd.s32 $0xFFFFFFFF  }
0xa5: {  	s26 =	simm.s32 $execute0_lowered;
	[smem:$0x3FD2] =	sst s25  }
0xa6: {  	s5 =	sshll.u32 s26, $0x1;
	_ =	strace $0x80000046;
	[dreg:$0x1] =	wrdreg $0xFFFFFFFF  }
0xa7: {  	s28 =	simm.s32 $_size_execute0_lowered;
	s3 =	sadd.s32 s3, s5;
	[dreg:$0x0] =	wrdreg $0x0  }
0xa8: {  	s5 =	sshll.u32 s28, $0x1;
	[dreg:$0x2] =	wrdreg s3  }
0xa9: {  	[dreg:$0x3] =	wrdreg s5  }
0xaa: {  	[dreg:$0x4] =	wrdreg $0xC0  }
0xab: {  	_ =	task [dreg:s7], $0x5FFFF  }
0xac: {  	[dreg:$0x1] =	wrdreg $0xFFFFFFFF  }
0xad: {  	[dreg:$0x0] =	wrdreg $0x60  }
0xae: {  	[dreg:$0x2] =	wrdreg s2  }
0xaf: {  	[dreg:$0x3] =	wrdreg s24  }
0xb0: {  	[dreg:$0x4] =	wrdreg $0x9  }
0xb1: {  	_ =	task.clear_ibuf [dreg:s7], $0x5FFFF;
	_ =	strace $0x90000046  }
0xb2: {  	s29 =	simm.s32 $0x9;
	_ =	strace $0x80000048  }
0xb3: {  	_ =	swait.ge [sflag:s29], $0x1  }
0xb4: {  	[sflag:s29] =	ssyncadd.s32 $0xFFFFFFFF  }
0xb5: {  	_ =	strace $0x90000048  }
0xb6: {  	_ =	sfence  }
0xb7: {  	s30 =	sld [smem:$0x0];
	_ =	sdelay $0x2  }
0xb8: {  	s31 =	sshll.u32 s1, $0xD;
	s1 =	sshrl.u32 s1, $0x2  }
0xb9: {  	s3 =	sand.u32 $0x4000, s31;
	s1 =	sadd.s32 s1, s30  }
0xba: {  	s0 =	sor.u32 s3, s0;
	s1 =	sshll.u32 s1, $0x11  }
0xbb: {  	s0 =	sor.u32 s1, s0  }
0xbc: {  	s0 =	sadd.s32 $0x8F2B, s0  }
0xbd: {  	[sflag:s0] =	ssyncadd.remote.s32 $0x1  }
0xbe: {  	_ =	sfence.sel $0xFFFF  }
0xbf: {  	[dreg:$0x0] =	wrdreg $0xFFFFFFFF;
	(pc) =	sbr.abs _section_cstart, $3  }
0xc0: {  	[dreg:$0x1] =	wrdreg $0xFFFFFFFF  }
0xc1: {  	_ =	task.clear_ibuf [dreg:s7], $0x2FFFF;
	_ =	strace $0x9FFFFFFF  }
0xc2: {  	(tm) =	ssettm $0x7FFFFFFF  }
0xc3: {  	_ =	shalt  }
tec
execute0_lowered:
.L_overlay_start_1:
0x0: {  	(tag) =	ssettag $0x1  }
0x1: {  	s0 =	rddreg [dreg:$0x0]  }
0x2: {  	s1 =	rddreg [dreg:$0x1]  }
0x3: {  	s2 =	srdreg.scid;
	s3 =	stileid.u32;
	s4 =	simm.s32 $0x0  }
0x4: {  	s9 =	simm.s32 $0x5;
	s12 =	simm.s32 $0xE800;
	s13 =	simm.s32 $0x10800  }
0x5: {  	s14 =	simm.s32 $0x12800;
	s15 =	simm.s32 $0x1;
	s16 =	simm.s32 $0x40  }
0x6: {  	s17 =	simm.s32 $0x80;
	s2 =	sand.u32 $0x1, s2;
	s3 =	sshll.u32 s3, $0x1  }
0x7: {  	s18 =	simm.s32 $0x2;
	s19 =	simm.s32 $0x3;
	s3 =	sor.u32 s2, s3  }
0x8: {  	s20 =	simm.s32 $0x4;
	s2 =	ssub.s32 $0x2, s2;
	s3 =	smul.u32 $0x6400, s3  }
.Ltmp0:
0x9: {  	[smem:$0x7FF] =	sst s4;
	s28 =	sshrl.u32 s2, $0x1;
	(pc) =	sbr.rel .LBB2_1-.Ltmp0, $4  }
0xa: {  	s5 =	sadd.s32 $0xE00, s1;
	_ =	strace $0x80000047;
	s29 =	ssub.s32 s2, s28  }
0xb: {  	[dreg:$0x3] =	wrdreg s5;
	s30 =	sshrl.u32 s3, $0x3;
	s31 =	smax.u32 s29, $0x1  }
0xc: {  	s4 =	sadd.s32 $0xF43200, s1;
	s0 =	sadd.s32 s0, s30;
	[dreg:$0x5] =	wrdreg s31  }
0xd: {  	s6 =	sadd.s32 $0x1C00, s1;
	s1 =	simm.s32 $0x0;
	[dreg:$0x4] =	wrdreg s0  }
.LBB2_12:
0xe: {  	s1 =	rddreg [dreg:$0x6]  }
0xf: {  	s0 =	rddreg [dreg:$0x5];
	s1 =	sadd.s32 $0x1, s1  }
0x10: {  	p0 =	sne.s32 s1, s0  }
.Ltmp1:
0x11: {  	_ = 	snop;
	(pc) =	sbr.rel @!p0 .LBB2_13-.Ltmp1, $1  }
0x12: {  	_ =	sdelay $0x3  }
.LBB2_1:
0x13: {  	[dreg:$0x6] =	wrdreg s1  }
0x14: {  	s0 =	simm.s32 $0x0;
	s24 =	rddreg [dreg:$0x4]  }
0x15: {  	[tilespmem:s0], [sflag:$0x5] =	stream.linear.gather [hbm4b:s24+s0], $0x6400, $0x38;
	[tilespmem:$0x14800] =	vst v63  }
0x16: {  	_ =	swait.ge [sflag:s9], $0x6400  }
0x17: {  	[sflag:s9] =	ssyncset.done $0x0  }
0x18: {  	s2 =	simm.s32 $0x6400;
	s25 =	rddreg [dreg:$0x3];
	[sflag:s9] =	ssyncadd.s32 $0xFFFF9C00  }
0x19: {  	[tilespmem:s2], [sflag:$0x5] =	stream.linear.gather [hbm4b:s25+s0], $0x6400, $0x38;
	[tilespmem:$0x14800] =	vst v63  }
0x1a: {  	_ =	swait.ge [sflag:s9], $0x6400  }
0x1b: {  	[sflag:s9] =	ssyncset.done $0x0  }
0x1c: {  	s26 =	simm.s32 $0xC800;
	[sflag:s9] =	ssyncadd.s32 $0xFFFF9C00  }
0x1d: {  	[tilespmem:s26], [sflag:$0x1] =	stream.indirect.gather [hbm4b:s4+s17], $0x40, s0, s17, $0xb8;
	[tilespmem:$0x14800] =	vst v63  }
0x1e: {  	s22 =	simm.s32 $0x100;
	s23 =	simm.s32 $0x180;
	s28 =	simm.s32 $0xC400  }
0x1f: {  	[tilespmem:s12], [sflag:$0x2] =	stream.indirect.gather [hbm4b:s4+s17], $0x40, s17, s17, $0xb8;
	[tilespmem:$0x14800] =	vst v63  }
0x20: {  	s29 =	simm.s32 $0x80;
	s30 =	simm.s32 $0x0;
	s31 =	simm.s32 $0x0  }
0x21: {  	[tilespmem:s13], [sflag:$0x3] =	stream.indirect.gather [hbm4b:s4+s17], $0x40, s22, s17, $0xb8;
	[tilespmem:$0x14800] =	vst v63  }
0x22: {  	s24 =	simm.s32 $0x6500;
	s25 =	simm.s32 $0x8400;
	s26 =	simm.s32 $0xA400  }
0x23: {  	[tilespmem:s14], [sflag:$0x4] =	stream.indirect.gather [hbm4b:s4+s17], $0x40, s23, s17, $0xb8;
	[tilespmem:$0x14800] =	vst v63  }
.LBB2_2:
0x24: {  	s0 =	smulhi.u32 $0x51EB851F, s30;
	_ =	sdelay $0x1  }
0x25: {  	s0 =	sshrl.u32 s0, $0x6  }
0x26: {  	s0 =	smul.u32 $0xFFFF3800, s0;
	_ =	sdelay $0x1  }
0x27: {  	s0 =	sshra.s32 s0, $0x2  }
0x28: {  	s0 =	sadd.s32 s0, s24  }
0x29: {  	v0 =	vmov s0;
	_ =	sdelay $0x1  }
0x2a: {  	_ =	swait.ge [sflag:s15], $0x2000  }
0x2b: {  	[sflag:s15] =	ssyncset.done $0x0  }
0x2c: {  	[sflag:s15] =	ssyncadd.s32 $0xFFFFE000;
	s0 =	simm.s32 $0x0  }
0x2d: {  	v1 =	vld.idx.msk [tilespmem:v0+s0+$0xC0 ss:$0x1], $0xffff  }
0x2e: {  	v2 =	vld.idx.msk [tilespmem:v0+s0+$0xFFFFFF00 ss:$0x1], $0xffff  }
0x2f: {  	v3 =	vld.idx.msk [tilespmem:v0+s0+$0xFFFFFF40 ss:$0x1], $0xffff  }
0x30: {  	v4 =	vld.idx.msk [tilespmem:v0+s0+$0xFFFFFF80 ss:$0x1], $0xffff  }
0x31: {  	v5 =	vld.idx.msk [tilespmem:v0+s0+$0xFFFFFFC0 ss:$0x1], $0xffff  }
0x32: {  	v6 =	vld.idx.msk [tilespmem:v0+s0+$0x0 ss:$0x1], $0xffff  }
0x33: {  	v7 =	vld.idx.msk [tilespmem:v0+s0+$0x40 ss:$0x1], $0xffff  }
0x34: {  	v8 =	vld.idx.msk [tilespmem:v0+s0+$0x80 ss:$0x1], $0xffff  }
0x35: {  	[tilespmem:s0+$0xC9C0] =	vst.add.f32.msk $0xffff, v1  }
0x36: {  	[tilespmem:s0+$0xC800] =	vst.add.f32.msk $0xffff, v2  }
0x37: {  	[tilespmem:s0+$0xC840] =	vst.add.f32.msk $0xffff, v3  }
0x38: {  	[tilespmem:s0+$0xC880] =	vst.add.f32.msk $0xffff, v4  }
0x39: {  	[tilespmem:s0+$0xC8C0] =	vst.add.f32.msk $0xffff, v5  }
0x3a: {  	[tilespmem:s0+$0xC900] =	vst.add.f32.msk $0xffff, v6  }
0x3b: {  	[tilespmem:s0+$0xC940] =	vst.add.f32.msk $0xffff, v7  }
0x3c: {  	[tilespmem:s0+$0xC980] =	vst.add.f32.msk $0xffff, v8  }
0x3d: {  	v1 =	vld.idx.msk [tilespmem:v0+s0+$0xD0 ss:$0x1], $0xffff  }
0x3e: {  	v2 =	vld.idx.msk [tilespmem:v0+s0+$0xFFFFFF10 ss:$0x1], $0xffff  }
0x3f: {  	v3 =	vld.idx.msk [tilespmem:v0+s0+$0xFFFFFF50 ss:$0x1], $0xffff  }
0x40: {  	v4 =	vld.idx.msk [tilespmem:v0+s0+$0xFFFFFF90 ss:$0x1], $0xffff  }
0x41: {  	v5 =	vld.idx.msk [tilespmem:v0+s0+$0xFFFFFFD0 ss:$0x1], $0xffff  }
0x42: {  	v6 =	vld.idx.msk [tilespmem:v0+s0+$0x10 ss:$0x1], $0xffff  }
0x43: {  	v7 =	vld.idx.msk [tilespmem:v0+s0+$0x50 ss:$0x1], $0xffff  }
0x44: {  	[tilespmem:s0+$0xC9D0] =	vst.add.f32.msk $0xffff, v1  }
0x45: {  	[tilespmem:s0+$0xC810] =	vst.add.f32.msk $0xffff, v2  }
0x46: {  	[tilespmem:s0+$0xC850] =	vst.add.f32.msk $0xffff, v3  }
0x47: {  	[tilespmem:s0+$0xC890] =	vst.add.f32.msk $0xffff, v4  }
0x48: {  	[tilespmem:s0+$0xC8D0] =	vst.add.f32.msk $0xffff, v5  }
0x49: {  	[tilespmem:s0+$0xC910] =	vst.add.f32.msk $0xffff, v6  }
0x4a: {  	[tilespmem:s0+$0xC950] =	vst.add.f32.msk $0xffff, v7  }
0x4b: {  	v1 =	vld.idx.msk [tilespmem:v0+s0+$0xE0 ss:$0x1], $0xffff  }
0x4c: {  	v2 =	vld.idx.msk [tilespmem:v0+s0+$0xFFFFFF60 ss:$0x1], $0xffff  }
0x4d: {  	v3 =	vld.idx.msk [tilespmem:v0+s0+$0xFFFFFFA0 ss:$0x1], $0xffff  }
0x4e: {  	v56 =	vld.idx.msk [tilespmem:v0+s0+$0xFFFFFFE0 ss:$0x1], $0xffff  }
0x4f: {  	v57 =	vld.idx.msk [tilespmem:v0+s0+$0x20 ss:$0x1], $0xffff  }
0x50: {  	v58 =	vld.idx.msk [tilespmem:v0+s0+$0x60 ss:$0x1], $0xffff  }
0x51: {  	[tilespmem:s0+$0xC9E0] =	vst.add.f32.msk $0xffff, v1  }
0x52: {  	[tilespmem:s0+$0xC860] =	vst.add.f32.msk $0xffff, v2  }
0x53: {  	v1 =	vld.idx.msk [tilespmem:v0+s0+$0xF0 ss:$0x1], $0xffff  }
0x54: {  	[tilespmem:s0+$0xC8A0] =	vst.add.f32.msk $0xffff, v3  }
0x55: {  	[tilespmem:s0+$0xC8E0] =	vst.add.f32.msk $0xffff, v56  }
0x56: {  	[tilespmem:s0+$0xC920] =	vst.add.f32.msk $0xffff, v57  }
0x57: {  	[tilespmem:s0+$0xC960] =	vst.add.f32.msk $0xffff, v58  }
0x58: {  	[tilespmem:s0+$0xC9F0] =	vst.add.f32.msk $0xffff, v1  }
0x59: {  	v1 =	vld.idx.msk [tilespmem:v0+s0+$0x90 ss:$0x1], $0xffff  }
0x5a: {  	v3 =	vld.idx.msk [tilespmem:v0+s0+$0xFFFFFF70 ss:$0x1], $0xffff  }
0x5b: {  	v60 =	vld.idx.msk [tilespmem:v0+s0+$0xFFFFFFB0 ss:$0x1], $0xffff  }
0x5c: {  	v61 =	vld.idx.msk [tilespmem:v0+s0+$0xFFFFFFF0 ss:$0x1], $0xffff  }
0x5d: {  	v62 =	vld.idx.msk [tilespmem:v0+s0+$0x30 ss:$0x1], $0xffff  }
0x5e: {  	[tilespmem:s0+$0xC990] =	vst.add.f32.msk $0xffff, v1  }
0x5f: {  	v1 =	vld.idx.msk [tilespmem:v0+s0+$0xFFFFFF20 ss:$0x1], $0xffff  }
0x60: {  	v59 =	vld.idx.msk [tilespmem:v0+s0+$0xA0 ss:$0x1], $0xffff  }
0x61: {  	v63 =	vld.idx.msk [tilespmem:v0+s0+$0x70 ss:$0x1], $0xffff  }
0x62: {  	s1 =	smulhi.u32 $0x51EB851F, s23;
	[tilespmem:s0+$0xC870] =	vst.add.f32.msk $0xffff, v3  }
0x63: {  	s2 =	smulhi.u32 $0x51EB851F, s22;
	[tilespmem:s0+$0xC8B0] =	vst.add.f32.msk $0xffff, v60  }
0x64: {  	s5 =	smulhi.u32 $0x51EB851F, s29;
	s1 =	sshrl.u32 s1, $0x6;
	[tilespmem:s0+$0xC820] =	vst.add.f32.msk $0xffff, v1  }
0x65: {  	s2 =	sshrl.u32 s2, $0x6;
	s1 =	smul.u32 $0xFFFF3800, s1;
	[tilespmem:s0+$0xC9A0] =	vst.add.f32.msk $0xffff, v59  }
0x66: {  	s5 =	sshrl.u32 s5, $0x6;
	s2 =	smul.u32 $0xFFFF3800, s2;
	v2 =	vld.idx.msk [tilespmem:v0+s0+$0xFFFFFF30 ss:$0x1], $0xffff  }
0x67: {  	s5 =	smul.u32 $0xFFFF3800, s5;
	v1 =	vld.idx.msk [tilespmem:v0+s0+$0xB0 ss:$0x1], $0xffff  }
0x68: {  	[tilespmem:s0+$0xC8F0] =	vst.add.f32.msk $0xffff, v61  }
0x69: {  	s1 =	sshra.s32 s1, $0x2;
	s2 =	sshra.s32 s2, $0x2;
	s5 =	sshra.s32 s5, $0x2;
	[tilespmem:s0+$0xC930] =	vst.add.f32.msk $0xffff, v62  }
0x6a: {  	s10 =	sadd.s32 s1, s28;
	s7 =	sadd.s32 s2, s26;
	s8 =	sadd.s32 s5, s25;
	[tilespmem:s0+$0xC970] =	vst.add.f32.msk $0xffff, v63  }
0x6b: {  	s1 =	sshll.u32 s31, $0x9;
	s2 =	simm.s32 $0x0;
	s5 =	simm.s32 $0x800;
	[tilespmem:s0+$0xC830] =	vst.add.f32.msk $0xffff, v2  }
.LBB2_3:
0x6c: {  	s2 =	sadd.s32 $0x8, s2;
	[tilespmem:s0+$0xC9B0] =	vst.add.f32.msk $0xffff, v1;
	s0 =	sshra.s32 s5, $0x2  }
0x6d: {  	v1 =	vld.idx.msk [tilespmem:v0+s0+$0xC0 ss:$0x1], $0xffff;
	p0 =	slt.u32 s2, $0x78  }
0x6e: {  	v2 =	vld.idx.msk [tilespmem:v0+s0+$0xFFFFFF00 ss:$0x1], $0xffff  }
0x6f: {  	v3 =	vld.idx.msk [tilespmem:v0+s0+$0xFFFFFF40 ss:$0x1], $0xffff  }
0x70: {  	v4 =	vld.idx.msk [tilespmem:v0+s0+$0xFFFFFF80 ss:$0x1], $0xffff  }
0x71: {  	v5 =	vld.idx.msk [tilespmem:v0+s0+$0xFFFFFFC0 ss:$0x1], $0xffff  }
0x72: {  	v6 =	vld.idx.msk [tilespmem:v0+s0+$0x0 ss:$0x1], $0xffff  }
0x73: {  	[tilespmem:s0+$0xC9C0] =	vst.add.f32.msk $0xffff, v1  }
0x74: {  	v1 =	vld.idx.msk [tilespmem:v0+s0+$0xD0 ss:$0x1], $0xffff  }
0x75: {  	v7 =	vld.idx.msk [tilespmem:v0+s0+$0x40 ss:$0x1], $0xffff  }
0x76: {  	v8 =	vld.idx.msk [tilespmem:v0+s0+$0x80 ss:$0x1], $0xffff  }
0x77: {  	[tilespmem:s0+$0xC800] =	vst.add.f32.msk $0xffff, v2  }
0x78: {  	[tilespmem:s0+$0xC840] =	vst.add.f32.msk $0xffff, v3  }
0x79: {  	[tilespmem:s0+$0xC880] =	vst.add.f32.msk $0xffff, v4  }
0x7a: {  	[tilespmem:s0+$0xC9D0] =	vst.add.f32.msk $0xffff, v1  }
0x7b: {  	v1 =	vld.idx.msk [tilespmem:v0+s0+$0xE0 ss:$0x1], $0xffff  }
0x7c: {  	[tilespmem:s0+$0xC8C0] =	vst.add.f32.msk $0xffff, v5  }
0x7d: {  	[tilespmem:s0+$0xC900] =	vst.add.f32.msk $0xffff, v6  }
0x7e: {  	[tilespmem:s0+$0xC940] =	vst.add.f32.msk $0xffff, v7  }
0x7f: {  	[tilespmem:s0+$0xC980] =	vst.add.f32.msk $0xffff, v8  }
0x80: {  	v2 =	vld.idx.msk [tilespmem:v0+s0+$0xFFFFFF10 ss:$0x1], $0xffff  }
0x81: {  	[tilespmem:s0+$0xC9E0] =	vst.add.f32.msk $0xffff, v1  }
0x82: {  	v1 =	vld.idx.msk [tilespmem:v0+s0+$0xF0 ss:$0x1], $0xffff  }
0x83: {  	v3 =	vld.idx.msk [tilespmem:v0+s0+$0xFFFFFF50 ss:$0x1], $0xffff  }
0x84: {  	v4 =	vld.idx.msk [tilespmem:v0+s0+$0xFFFFFF90 ss:$0x1], $0xffff  }
0x85: {  	v5 =	vld.idx.msk [tilespmem:v0+s0+$0xFFFFFFD0 ss:$0x1], $0xffff  }
0x86: {  	v6 =	vld.idx.msk [tilespmem:v0+s0+$0x10 ss:$0x1], $0xffff  }
0x87: {  	v7 =	vld.idx.msk [tilespmem:v0+s0+$0x50 ss:$0x1], $0xffff  }
0x88: {  	[tilespmem:s0+$0xC9F0] =	vst.add.f32.msk $0xffff, v1  }
0x89: {  	v1 =	vld.idx.msk [tilespmem:v0+s0+$0x90 ss:$0x1], $0xffff  }
0x8a: {  	[tilespmem:s0+$0xC810] =	vst.add.f32.msk $0xffff, v2  }
0x8b: {  	[tilespmem:s0+$0xC850] =	vst.add.f32.msk $0xffff, v3  }
0x8c: {  	[tilespmem:s0+$0xC890] =	vst.add.f32.msk $0xffff, v4  }
0x8d: {  	[tilespmem:s0+$0xC8D0] =	vst.add.f32.msk $0xffff, v5  }
0x8e: {  	[tilespmem:s0+$0xC910] =	vst.add.f32.msk $0xffff, v6  }
0x8f: {  	[tilespmem:s0+$0xC950] =	vst.add.f32.msk $0xffff, v7  }
0x90: {  	[tilespmem:s0+$0xC990] =	vst.add.f32.msk $0xffff, v1  }
0x91: {  	v1 =	vld.idx.msk [tilespmem:v0+s0+$0xFFFFFF20 ss:$0x1], $0xffff  }
0x92: {  	v2 =	vld.idx.msk [tilespmem:v0+s0+$0xFFFFFF60 ss:$0x1], $0xffff  }
0x93: {  	v3 =	vld.idx.msk [tilespmem:v0+s0+$0xFFFFFFA0 ss:$0x1], $0xffff  }
0x94: {  	v4 =	vld.idx.msk [tilespmem:v0+s0+$0xFFFFFFE0 ss:$0x1], $0xffff  }
0x95: {  	v5 =	vld.idx.msk [tilespmem:v0+s0+$0x20 ss:$0x1], $0xffff  }
0x96: {  	v6 =	vld.idx.msk [tilespmem:v0+s0+$0x60 ss:$0x1], $0xffff  }
0x97: {  	v7 =	vld.idx.msk [tilespmem:v0+s0+$0xA0 ss:$0x1], $0xffff  }
0x98: {  	[tilespmem:s0+$0xC820] =	vst.add.f32.msk $0xffff, v1  }
0x99: {  	[tilespmem:s0+$0xC860] =	vst.add.f32.msk $0xffff, v2  }
0x9a: {  	[tilespmem:s0+$0xC8A0] =	vst.add.f32.msk $0xffff, v3  }
0x9b: {  	[tilespmem:s0+$0xC8E0] =	vst.add.f32.msk $0xffff, v4  }
0x9c: {  	[tilespmem:s0+$0xC920] =	vst.add.f32.msk $0xffff, v5  }
0x9d: {  	[tilespmem:s0+$0xC960] =	vst.add.f32.msk $0xffff, v6  }
0x9e: {  	[tilespmem:s0+$0xC9A0] =	vst.add.f32.msk $0xffff, v7  }
0x9f: {  	v2 =	vld.idx.msk [tilespmem:v0+s0+$0xFFFFFF30 ss:$0x1], $0xffff  }
0xa0: {  	v3 =	vld.idx.msk [tilespmem:v0+s0+$0xFFFFFF70 ss:$0x1], $0xffff  }
0xa1: {  	v4 =	vld.idx.msk [tilespmem:v0+s0+$0xFFFFFFB0 ss:$0x1], $0xffff  }
0xa2: {  	v5 =	vld.idx.msk [tilespmem:v0+s0+$0xFFFFFFF0 ss:$0x1], $0xffff  }
0xa3: {  	v6 =	vld.idx.msk [tilespmem:v0+s0+$0x30 ss:$0x1], $0xffff  }
0xa4: {  	v7 =	vld.idx.msk [tilespmem:v0+s0+$0x70 ss:$0x1], $0xffff  }
0xa5: {  	v1 =	vld.idx.msk [tilespmem:v0+s0+$0xB0 ss:$0x1], $0xffff  }
0xa6: {  	[tilespmem:s0+$0xC830] =	vst.add.f32.msk $0xffff, v2  }
.Ltmp2:
0xa7: {  	[tilespmem:s0+$0xC870] =	vst.add.f32.msk $0xffff, v3;
	(pc) =	sbr.rel @p0 .LBB2_3-.Ltmp2, $4  }
0xa8: {  	[tilespmem:s0+$0xC8B0] =	vst.add.f32.msk $0xffff, v4  }
0xa9: {  	[tilespmem:s0+$0xC8F0] =	vst.add.f32.msk $0xffff, v5  }
0xaa: {  	[tilespmem:s0+$0xC930] =	vst.add.f32.msk $0xffff, v6  }
0xab: {  	s5 =	sadd.s32 $0x800, s5;
	[tilespmem:s0+$0xC970] =	vst.add.f32.msk $0xffff, v7  }
0xac: {  	s2 =	sadd.s32 s3, s1  }
0xad: {  	s21 =	simm.s32 $0xC800;
	s2 =	sshll.u32 s2, $0x4  }
0xae: {  	[tilespmem:s0+$0xC9B0] =	vst.add.f32.msk $0xffff, v1;
	s0 =	sshll.u32 s31, $0xB;
	p0 =	seq.s32 s31, $0x31;
	s11 =	sadd.s32 s6, s2  }
0xaf: {  	[hbm4b:s11+s16] =	stream.strided.scatter [tilespmem:s21], [sflag:$0x5], $0x2000, s17, s16, $0x38;
	[tilespmem:$0x14800] =	vst v63  }
0xb0: {  	s5 =	sshrl.u32 @!p0 s0, $0x2;
	_ =	swait.ge [sflag:s9], $0x2000  }
0xb1: {  	s2 =	sadd.s32 @!p0 $0x200, s5;
	[sflag:s9] =	ssyncset.done $0x0  }
0xb2: {  	v0 =	vmov s8;
	s11 =	simm.s32 @!p0 $0x80;
	s21 =	simm.s32 @!p0 $0xC800;
	[sflag:s9] =	ssyncadd.s32 $0xFFFFE000  }
0xb3: {  	[tilespmem:s21], [sflag:$0x1] =	stream.indirect.gather @!p0 [hbm4b:s4+s11], $0x40, s2, s11, $0xb8;
	[tilespmem:$0x14800] =	vst v63  }
0xb4: {  	_ =	swait.ge [sflag:s18], $0x2000  }
0xb5: {  	[sflag:s18] =	ssyncset.done $0x0  }
0xb6: {  	s8 =	simm.s32 $0x0;
	[sflag:s18] =	ssyncadd.s32 $0xFFFFE000  }
0xb7: {  	v1 =	vld.idx.msk [tilespmem:v0+s8+$0x1C0 ss:$0x1], $0xffff  }
0xb8: {  	v2 =	vld.idx.msk [tilespmem:v0+s8+$0x0 ss:$0x1], $0xffff  }
0xb9: {  	v3 =	vld.idx.msk [tilespmem:v0+s8+$0x40 ss:$0x1], $0xffff  }
0xba: {  	v4 =	vld.idx.msk [tilespmem:v0+s8+$0x80 ss:$0x1], $0xffff  }
0xbb: {  	v5 =	vld.idx.msk [tilespmem:v0+s8+$0xC0 ss:$0x1], $0xffff  }
0xbc: {  	v6 =	vld.idx.msk [tilespmem:v0+s8+$0x100 ss:$0x1], $0xffff  }
0xbd: {  	v7 =	vld.idx.msk [tilespmem:v0+s8+$0x140 ss:$0x1], $0xffff  }
0xbe: {  	v8 =	vld.idx.msk [tilespmem:v0+s8+$0x180 ss:$0x1], $0xffff  }
0xbf: {  	[tilespmem:s8+$0xE9C0] =	vst.add.f32.msk $0xffff, v1  }
0xc0: {  	[tilespmem:s8+$0xE800] =	vst.add.f32.msk $0xffff, v2  }
0xc1: {  	[tilespmem:s8+$0xE840] =	vst.add.f32.msk $0xffff, v3  }
0xc2: {  	[tilespmem:s8+$0xE880] =	vst.add.f32.msk $0xffff, v4  }
0xc3: {  	[tilespmem:s8+$0xE8C0] =	vst.add.f32.msk $0xffff, v5  }
0xc4: {  	[tilespmem:s8+$0xE900] =	vst.add.f32.msk $0xffff, v6  }
0xc5: {  	[tilespmem:s8+$0xE940] =	vst.add.f32.msk $0xffff, v7  }
0xc6: {  	[tilespmem:s8+$0xE980] =	vst.add.f32.msk $0xffff, v8  }
0xc7: {  	v1 =	vld.idx.msk [tilespmem:v0+s8+$0x1D0 ss:$0x1], $0xffff  }
0xc8: {  	v2 =	vld.idx.msk [tilespmem:v0+s8+$0x10 ss:$0x1], $0xffff  }
0xc9: {  	v3 =	vld.idx.msk [tilespmem:v0+s8+$0x50 ss:$0x1], $0xffff  }
0xca: {  	v4 =	vld.idx.msk [tilespmem:v0+s8+$0x90 ss:$0x1], $0xffff  }
0xcb: {  	v5 =	vld.idx.msk [tilespmem:v0+s8+$0xD0 ss:$0x1], $0xffff  }
0xcc: {  	v6 =	vld.idx.msk [tilespmem:v0+s8+$0x110 ss:$0x1], $0xffff  }
0xcd: {  	v7 =	vld.idx.msk [tilespmem:v0+s8+$0x150 ss:$0x1], $0xffff  }
0xce: {  	[tilespmem:s8+$0xE9D0] =	vst.add.f32.msk $0xffff, v1  }
0xcf: {  	[tilespmem:s8+$0xE810] =	vst.add.f32.msk $0xffff, v2  }
0xd0: {  	[tilespmem:s8+$0xE850] =	vst.add.f32.msk $0xffff, v3  }
0xd1: {  	[tilespmem:s8+$0xE890] =	vst.add.f32.msk $0xffff, v4  }
0xd2: {  	[tilespmem:s8+$0xE8D0] =	vst.add.f32.msk $0xffff, v5  }
0xd3: {  	[tilespmem:s8+$0xE910] =	vst.add.f32.msk $0xffff, v6  }
0xd4: {  	[tilespmem:s8+$0xE950] =	vst.add.f32.msk $0xffff, v7  }
0xd5: {  	v1 =	vld.idx.msk [tilespmem:v0+s8+$0x1E0 ss:$0x1], $0xffff  }
0xd6: {  	v2 =	vld.idx.msk [tilespmem:v0+s8+$0x60 ss:$0x1], $0xffff  }
0xd7: {  	v3 =	vld.idx.msk [tilespmem:v0+s8+$0xA0 ss:$0x1], $0xffff  }
0xd8: {  	v56 =	vld.idx.msk [tilespmem:v0+s8+$0xE0 ss:$0x1], $0xffff  }
0xd9: {  	v57 =	vld.idx.msk [tilespmem:v0+s8+$0x120 ss:$0x1], $0xffff  }
0xda: {  	v58 =	vld.idx.msk [tilespmem:v0+s8+$0x160 ss:$0x1], $0xffff  }
0xdb: {  	[tilespmem:s8+$0xE9E0] =	vst.add.f32.msk $0xffff, v1  }
0xdc: {  	[tilespmem:s8+$0xE860] =	vst.add.f32.msk $0xffff, v2  }
0xdd: {  	v1 =	vld.idx.msk [tilespmem:v0+s8+$0x1F0 ss:$0x1], $0xffff  }
0xde: {  	[tilespmem:s8+$0xE8A0] =	vst.add.f32.msk $0xffff, v3  }
0xdf: {  	[tilespmem:s8+$0xE8E0] =	vst.add.f32.msk $0xffff, v56  }
0xe0: {  	[tilespmem:s8+$0xE920] =	vst.add.f32.msk $0xffff, v57  }
0xe1: {  	[tilespmem:s8+$0xE960] =	vst.add.f32.msk $0xffff, v58  }
0xe2: {  	[tilespmem:s8+$0xE9F0] =	vst.add.f32.msk $0xffff, v1  }
0xe3: {  	v1 =	vld.idx.msk [tilespmem:v0+s8+$0x190 ss:$0x1], $0xffff  }
0xe4: {  	v3 =	vld.idx.msk [tilespmem:v0+s8+$0x70 ss:$0x1], $0xffff  }
0xe5: {  	v60 =	vld.idx.msk [tilespmem:v0+s8+$0xB0 ss:$0x1], $0xffff  }
0xe6: {  	v61 =	vld.idx.msk [tilespmem:v0+s8+$0xF0 ss:$0x1], $0xffff  }
0xe7: {  	v62 =	vld.idx.msk [tilespmem:v0+s8+$0x130 ss:$0x1], $0xffff  }
0xe8: {  	[tilespmem:s8+$0xE990] =	vst.add.f32.msk $0xffff, v1  }
0xe9: {  	v1 =	vld.idx.msk [tilespmem:v0+s8+$0x20 ss:$0x1], $0xffff  }
0xea: {  	v59 =	vld.idx.msk [tilespmem:v0+s8+$0x1A0 ss:$0x1], $0xffff  }
0xeb: {  	v63 =	vld.idx.msk [tilespmem:v0+s8+$0x170 ss:$0x1], $0xffff  }
0xec: {  	[tilespmem:s8+$0xE870] =	vst.add.f32.msk $0xffff, v3  }
0xed: {  	[tilespmem:s8+$0xE8B0] =	vst.add.f32.msk $0xffff, v60  }
0xee: {  	[tilespmem:s8+$0xE820] =	vst.add.f32.msk $0xffff, v1  }
0xef: {  	[tilespmem:s8+$0xE9A0] =	vst.add.f32.msk $0xffff, v59  }
0xf0: {  	v2 =	vld.idx.msk [tilespmem:v0+s8+$0x30 ss:$0x1], $0xffff  }
0xf1: {  	v1 =	vld.idx.msk [tilespmem:v0+s8+$0x1B0 ss:$0x1], $0xffff  }
0xf2: {  	[tilespmem:s8+$0xE8F0] =	vst.add.f32.msk $0xffff, v61  }
0xf3: {  	[tilespmem:s8+$0xE930] =	vst.add.f32.msk $0xffff, v62  }
0xf4: {  	[tilespmem:s8+$0xE970] =	vst.add.f32.msk $0xffff, v63  }
0xf5: {  	s2 =	sor.u32 $0x80, s1;
	s21 =	simm.s32 $0x0;
	s11 =	simm.s32 $0x800;
	[tilespmem:s8+$0xE830] =	vst.add.f32.msk $0xffff, v2  }
.LBB2_5:
0xf6: {  	s21 =	sadd.s32 $0x8, s21;
	[tilespmem:s8+$0xE9B0] =	vst.add.f32.msk $0xffff, v1;
	s8 =	sshra.s32 s11, $0x2  }
0xf7: {  	v1 =	vld.idx.msk [tilespmem:v0+s8+$0x1C0 ss:$0x1], $0xffff;
	p1 =	slt.u32 s21, $0x78  }
0xf8: {  	v2 =	vld.idx.msk [tilespmem:v0+s8+$0x0 ss:$0x1], $0xffff  }
0xf9: {  	v3 =	vld.idx.msk [tilespmem:v0+s8+$0x40 ss:$0x1], $0xffff  }
0xfa: {  	v4 =	vld.idx.msk [tilespmem:v0+s8+$0x80 ss:$0x1], $0xffff  }
0xfb: {  	v5 =	vld.idx.msk [tilespmem:v0+s8+$0xC0 ss:$0x1], $0xffff  }
0xfc: {  	v6 =	vld.idx.msk [tilespmem:v0+s8+$0x100 ss:$0x1], $0xffff  }
0xfd: {  	[tilespmem:s8+$0xE9C0] =	vst.add.f32.msk $0xffff, v1  }
0xfe: {  	v1 =	vld.idx.msk [tilespmem:v0+s8+$0x1D0 ss:$0x1], $0xffff  }
0xff: {  	v7 =	vld.idx.msk [tilespmem:v0+s8+$0x140 ss:$0x1], $0xffff  }
0x100: {  	v8 =	vld.idx.msk [tilespmem:v0+s8+$0x180 ss:$0x1], $0xffff  }
0x101: {  	[tilespmem:s8+$0xE800] =	vst.add.f32.msk $0xffff, v2  }
0x102: {  	[tilespmem:s8+$0xE840] =	vst.add.f32.msk $0xffff, v3  }
0x103: {  	[tilespmem:s8+$0xE880] =	vst.add.f32.msk $0xffff, v4  }
0x104: {  	[tilespmem:s8+$0xE9D0] =	vst.add.f32.msk $0xffff, v1  }
0x105: {  	v1 =	vld.idx.msk [tilespmem:v0+s8+$0x1E0 ss:$0x1], $0xffff  }
0x106: {  	[tilespmem:s8+$0xE8C0] =	vst.add.f32.msk $0xffff, v5  }
0x107: {  	[tilespmem:s8+$0xE900] =	vst.add.f32.msk $0xffff, v6  }
0x108: {  	[tilespmem:s8+$0xE940] =	vst.add.f32.msk $0xffff, v7  }
0x109: {  	[tilespmem:s8+$0xE980] =	vst.add.f32.msk $0xffff, v8  }
0x10a: {  	v2 =	vld.idx.msk [tilespmem:v0+s8+$0x10 ss:$0x1], $0xffff  }
0x10b: {  	[tilespmem:s8+$0xE9E0] =	vst.add.f32.msk $0xffff, v1  }
0x10c: {  	v1 =	vld.idx.msk [tilespmem:v0+s8+$0x1F0 ss:$0x1], $0xffff  }
0x10d: {  	v3 =	vld.idx.msk [tilespmem:v0+s8+$0x50 ss:$0x1], $0xffff  }
0x10e: {  	v4 =	vld.idx.msk [tilespmem:v0+s8+$0x90 ss:$0x1], $0xffff  }
0x10f: {  	v5 =	vld.idx.msk [tilespmem:v0+s8+$0xD0 ss:$0x1], $0xffff  }
0x110: {  	v6 =	vld.idx.msk [tilespmem:v0+s8+$0x110 ss:$0x1], $0xffff  }
0x111: {  	v7 =	vld.idx.msk [tilespmem:v0+s8+$0x150 ss:$0x1], $0xffff  }
0x112: {  	[tilespmem:s8+$0xE9F0] =	vst.add.f32.msk $0xffff, v1  }
0x113: {  	v1 =	vld.idx.msk [tilespmem:v0+s8+$0x190 ss:$0x1], $0xffff  }
0x114: {  	[tilespmem:s8+$0xE810] =	vst.add.f32.msk $0xffff, v2  }
0x115: {  	[tilespmem:s8+$0xE850] =	vst.add.f32.msk $0xffff, v3  }
0x116: {  	[tilespmem:s8+$0xE890] =	vst.add.f32.msk $0xffff, v4  }
0x117: {  	[tilespmem:s8+$0xE8D0] =	vst.add.f32.msk $0xffff, v5  }
0x118: {  	[tilespmem:s8+$0xE910] =	vst.add.f32.msk $0xffff, v6  }
0x119: {  	[tilespmem:s8+$0xE950] =	vst.add.f32.msk $0xffff, v7  }
0x11a: {  	[tilespmem:s8+$0xE990] =	vst.add.f32.msk $0xffff, v1  }
0x11b: {  	v1 =	vld.idx.msk [tilespmem:v0+s8+$0x20 ss:$0x1], $0xffff  }
0x11c: {  	v2 =	vld.idx.msk [tilespmem:v0+s8+$0x60 ss:$0x1], $0xffff  }
0x11d: {  	v3 =	vld.idx.msk [tilespmem:v0+s8+$0xA0 ss:$0x1], $0xffff  }
0x11e: {  	v4 =	vld.idx.msk [tilespmem:v0+s8+$0xE0 ss:$0x1], $0xffff  }
0x11f: {  	v5 =	vld.idx.msk [tilespmem:v0+s8+$0x120 ss:$0x1], $0xffff  }
0x120: {  	v6 =	vld.idx.msk [tilespmem:v0+s8+$0x160 ss:$0x1], $0xffff  }
0x121: {  	v7 =	vld.idx.msk [tilespmem:v0+s8+$0x1A0 ss:$0x1], $0xffff  }
0x122: {  	[tilespmem:s8+$0xE820] =	vst.add.f32.msk $0xffff, v1  }
0x123: {  	[tilespmem:s8+$0xE860] =	vst.add.f32.msk $0xffff, v2  }
0x124: {  	[tilespmem:s8+$0xE8A0] =	vst.add.f32.msk $0xffff, v3  }
0x125: {  	[tilespmem:s8+$0xE8E0] =	vst.add.f32.msk $0xffff, v4  }
0x126: {  	[tilespmem:s8+$0xE920] =	vst.add.f32.msk $0xffff, v5  }
0x127: {  	[tilespmem:s8+$0xE960] =	vst.add.f32.msk $0xffff, v6  }
0x128: {  	[tilespmem:s8+$0xE9A0] =	vst.add.f32.msk $0xffff, v7  }
0x129: {  	v2 =	vld.idx.msk [tilespmem:v0+s8+$0x30 ss:$0x1], $0xffff  }
0x12a: {  	v3 =	vld.idx.msk [tilespmem:v0+s8+$0x70 ss:$0x1], $0xffff  }
0x12b: {  	v4 =	vld.idx.msk [tilespmem:v0+s8+$0xB0 ss:$0x1], $0xffff  }
0x12c: {  	v5 =	vld.idx.msk [tilespmem:v0+s8+$0xF0 ss:$0x1], $0xffff  }
0x12d: {  	v6 =	vld.idx.msk [tilespmem:v0+s8+$0x130 ss:$0x1], $0xffff  }
0x12e: {  	v7 =	vld.idx.msk [tilespmem:v0+s8+$0x170 ss:$0x1], $0xffff  }
0x12f: {  	v1 =	vld.idx.msk [tilespmem:v0+s8+$0x1B0 ss:$0x1], $0xffff  }
0x130: {  	[tilespmem:s8+$0xE830] =	vst.add.f32.msk $0xffff, v2  }
.Ltmp3:
0x131: {  	[tilespmem:s8+$0xE870] =	vst.add.f32.msk $0xffff, v3;
	(pc) =	sbr.rel @p1 .LBB2_5-.Ltmp3, $4  }
0x132: {  	[tilespmem:s8+$0xE8B0] =	vst.add.f32.msk $0xffff, v4  }
0x133: {  	[tilespmem:s8+$0xE8F0] =	vst.add.f32.msk $0xffff, v5  }
0x134: {  	[tilespmem:s8+$0xE930] =	vst.add.f32.msk $0xffff, v6  }
0x135: {  	s11 =	sadd.s32 $0x800, s11;
	[tilespmem:s8+$0xE970] =	vst.add.f32.msk $0xffff, v7  }
0x136: {  	s2 =	sadd.s32 s3, s2  }
0x137: {  	s2 =	sshll.u32 s2, $0x4  }
0x138: {  	s2 =	sand.u32 $0x1FFFE800, s2  }
0x139: {  	[tilespmem:s8+$0xE9B0] =	vst.add.f32.msk $0xffff, v1;
	s2 =	sadd.s32 s6, s2  }
0x13a: {  	[hbm4b:s2+s16] =	stream.strided.scatter [tilespmem:s12], [sflag:$0x5], $0x2000, s17, s16, $0x38;
	[tilespmem:$0x14800] =	vst v63  }
0x13b: {  	_ =	swait.ge [sflag:s9], $0x2000  }
0x13c: {  	s8 =	simm.s32 @!p0 $0x80;
	[sflag:s9] =	ssyncset.done $0x0  }
0x13d: {  	s11 =	simm.s32 @!p0 $0xE800;
	v0 =	vmov s7;
	s2 =	sadd.s32 @!p0 $0x280, s5;
	[sflag:s9] =	ssyncadd.s32 $0xFFFFE000  }
0x13e: {  	[tilespmem:s11], [sflag:$0x2] =	stream.indirect.gather @!p0 [hbm4b:s4+s8], $0x40, s2, s8, $0xb8;
	[tilespmem:$0x14800] =	vst v63  }
0x13f: {  	_ =	swait.ge [sflag:s19], $0x2000  }
0x140: {  	[sflag:s19] =	ssyncset.done $0x0  }
0x141: {  	s7 =	simm.s32 $0x0;
	[sflag:s19] =	ssyncadd.s32 $0xFFFFE000  }
0x142: {  	v1 =	vld.idx.msk [tilespmem:v0+s7+$0x1C0 ss:$0x1], $0xffff  }
0x143: {  	v2 =	vld.idx.msk [tilespmem:v0+s7+$0x0 ss:$0x1], $0xffff  }
0x144: {  	v3 =	vld.idx.msk [tilespmem:v0+s7+$0x40 ss:$0x1], $0xffff  }
0x145: {  	v4 =	vld.idx.msk [tilespmem:v0+s7+$0x80 ss:$0x1], $0xffff  }
0x146: {  	v5 =	vld.idx.msk [tilespmem:v0+s7+$0xC0 ss:$0x1], $0xffff  }
0x147: {  	v6 =	vld.idx.msk [tilespmem:v0+s7+$0x100 ss:$0x1], $0xffff  }
0x148: {  	v7 =	vld.idx.msk [tilespmem:v0+s7+$0x140 ss:$0x1], $0xffff  }
0x149: {  	v8 =	vld.idx.msk [tilespmem:v0+s7+$0x180 ss:$0x1], $0xffff  }
0x14a: {  	[tilespmem:s7+$0x109C0] =	vst.add.f32.msk $0xffff, v1  }
0x14b: {  	[tilespmem:s7+$0x10800] =	vst.add.f32.msk $0xffff, v2  }
0x14c: {  	[tilespmem:s7+$0x10840] =	vst.add.f32.msk $0xffff, v3  }
0x14d: {  	[tilespmem:s7+$0x10880] =	vst.add.f32.msk $0xffff, v4  }
0x14e: {  	[tilespmem:s7+$0x108C0] =	vst.add.f32.msk $0xffff, v5  }
0x14f: {  	[tilespmem:s7+$0x10900] =	vst.add.f32.msk $0xffff, v6  }
0x150: {  	[tilespmem:s7+$0x10940] =	vst.add.f32.msk $0xffff, v7  }
0x151: {  	[tilespmem:s7+$0x10980] =	vst.add.f32.msk $0xffff, v8  }
0x152: {  	v1 =	vld.idx.msk [tilespmem:v0+s7+$0x1D0 ss:$0x1], $0xffff  }
0x153: {  	v2 =	vld.idx.msk [tilespmem:v0+s7+$0x10 ss:$0x1], $0xffff  }
0x154: {  	v3 =	vld.idx.msk [tilespmem:v0+s7+$0x50 ss:$0x1], $0xffff  }
0x155: {  	v4 =	vld.idx.msk [tilespmem:v0+s7+$0x90 ss:$0x1], $0xffff  }
0x156: {  	v5 =	vld.idx.msk [tilespmem:v0+s7+$0xD0 ss:$0x1], $0xffff  }
0x157: {  	v6 =	vld.idx.msk [tilespmem:v0+s7+$0x110 ss:$0x1], $0xffff  }
0x158: {  	v7 =	vld.idx.msk [tilespmem:v0+s7+$0x150 ss:$0x1], $0xffff  }
0x159: {  	[tilespmem:s7+$0x109D0] =	vst.add.f32.msk $0xffff, v1  }
0x15a: {  	[tilespmem:s7+$0x10810] =	vst.add.f32.msk $0xffff, v2  }
0x15b: {  	[tilespmem:s7+$0x10850] =	vst.add.f32.msk $0xffff, v3  }
0x15c: {  	[tilespmem:s7+$0x10890] =	vst.add.f32.msk $0xffff, v4  }
0x15d: {  	[tilespmem:s7+$0x108D0] =	vst.add.f32.msk $0xffff, v5  }
0x15e: {  	[tilespmem:s7+$0x10910] =	vst.add.f32.msk $0xffff, v6  }
0x15f: {  	[tilespmem:s7+$0x10950] =	vst.add.f32.msk $0xffff, v7  }
0x160: {  	v1 =	vld.idx.msk [tilespmem:v0+s7+$0x1E0 ss:$0x1], $0xffff  }
0x161: {  	v2 =	vld.idx.msk [tilespmem:v0+s7+$0x60 ss:$0x1], $0xffff  }
0x162: {  	v3 =	vld.idx.msk [tilespmem:v0+s7+$0xA0 ss:$0x1], $0xffff  }
0x163: {  	v56 =	vld.idx.msk [tilespmem:v0+s7+$0xE0 ss:$0x1], $0xffff  }
0x164: {  	v57 =	vld.idx.msk [tilespmem:v0+s7+$0x120 ss:$0x1], $0xffff  }
0x165: {  	v58 =	vld.idx.msk [tilespmem:v0+s7+$0x160 ss:$0x1], $0xffff  }
0x166: {  	[tilespmem:s7+$0x109E0] =	vst.add.f32.msk $0xffff, v1  }
0x167: {  	[tilespmem:s7+$0x10860] =	vst.add.f32.msk $0xffff, v2  }
0x168: {  	v1 =	vld.idx.msk [tilespmem:v0+s7+$0x1F0 ss:$0x1], $0xffff  }
0x169: {  	[tilespmem:s7+$0x108A0] =	vst.add.f32.msk $0xffff, v3  }
0x16a: {  	[tilespmem:s7+$0x108E0] =	vst.add.f32.msk $0xffff, v56  }
0x16b: {  	[tilespmem:s7+$0x10920] =	vst.add.f32.msk $0xffff, v57  }
0x16c: {  	[tilespmem:s7+$0x10960] =	vst.add.f32.msk $0xffff, v58  }
0x16d: {  	[tilespmem:s7+$0x109F0] =	vst.add.f32.msk $0xffff, v1  }
0x16e: {  	v1 =	vld.idx.msk [tilespmem:v0+s7+$0x190 ss:$0x1], $0xffff  }
0x16f: {  	v3 =	vld.idx.msk [tilespmem:v0+s7+$0x70 ss:$0x1], $0xffff  }
0x170: {  	v60 =	vld.idx.msk [tilespmem:v0+s7+$0xB0 ss:$0x1], $0xffff  }
0x171: {  	v61 =	vld.idx.msk [tilespmem:v0+s7+$0xF0 ss:$0x1], $0xffff  }
0x172: {  	v62 =	vld.idx.msk [tilespmem:v0+s7+$0x130 ss:$0x1], $0xffff  }
0x173: {  	[tilespmem:s7+$0x10990] =	vst.add.f32.msk $0xffff, v1  }
0x174: {  	v1 =	vld.idx.msk [tilespmem:v0+s7+$0x20 ss:$0x1], $0xffff  }
0x175: {  	v59 =	vld.idx.msk [tilespmem:v0+s7+$0x1A0 ss:$0x1], $0xffff  }
0x176: {  	v63 =	vld.idx.msk [tilespmem:v0+s7+$0x170 ss:$0x1], $0xffff  }
0x177: {  	[tilespmem:s7+$0x10870] =	vst.add.f32.msk $0xffff, v3  }
0x178: {  	[tilespmem:s7+$0x108B0] =	vst.add.f32.msk $0xffff, v60  }
0x179: {  	[tilespmem:s7+$0x10820] =	vst.add.f32.msk $0xffff, v1  }
0x17a: {  	[tilespmem:s7+$0x109A0] =	vst.add.f32.msk $0xffff, v59  }
0x17b: {  	v2 =	vld.idx.msk [tilespmem:v0+s7+$0x30 ss:$0x1], $0xffff  }
0x17c: {  	v1 =	vld.idx.msk [tilespmem:v0+s7+$0x1B0 ss:$0x1], $0xffff  }
0x17d: {  	[tilespmem:s7+$0x108F0] =	vst.add.f32.msk $0xffff, v61  }
0x17e: {  	[tilespmem:s7+$0x10930] =	vst.add.f32.msk $0xffff, v62  }
0x17f: {  	[tilespmem:s7+$0x10970] =	vst.add.f32.msk $0xffff, v63  }
0x180: {  	s2 =	sor.u32 $0x100, s1;
	s8 =	simm.s32 $0x0;
	s11 =	simm.s32 $0x800;
	[tilespmem:s7+$0x10830] =	vst.add.f32.msk $0xffff, v2  }
.LBB2_7:
0x181: {  	s8 =	sadd.s32 $0x8, s8;
	[tilespmem:s7+$0x109B0] =	vst.add.f32.msk $0xffff, v1;
	s7 =	sshra.s32 s11, $0x2  }
0x182: {  	v1 =	vld.idx.msk [tilespmem:v0+s7+$0x1C0 ss:$0x1], $0xffff;
	p1 =	slt.u32 s8, $0x78  }
0x183: {  	v2 =	vld.idx.msk [tilespmem:v0+s7+$0x0 ss:$0x1], $0xffff  }
0x184: {  	v3 =	vld.idx.msk [tilespmem:v0+s7+$0x40 ss:$0x1], $0xffff  }
0x185: {  	v4 =	vld.idx.msk [tilespmem:v0+s7+$0x80 ss:$0x1], $0xffff  }
0x186: {  	v5 =	vld.idx.msk [tilespmem:v0+s7+$0xC0 ss:$0x1], $0xffff  }
0x187: {  	v6 =	vld.idx.msk [tilespmem:v0+s7+$0x100 ss:$0x1], $0xffff  }
0x188: {  	[tilespmem:s7+$0x109C0] =	vst.add.f32.msk $0xffff, v1  }
0x189: {  	v1 =	vld.idx.msk [tilespmem:v0+s7+$0x1D0 ss:$0x1], $0xffff  }
0x18a: {  	v7 =	vld.idx.msk [tilespmem:v0+s7+$0x140 ss:$0x1], $0xffff  }
0x18b: {  	v8 =	vld.idx.msk [tilespmem:v0+s7+$0x180 ss:$0x1], $0xffff  }
0x18c: {  	[tilespmem:s7+$0x10800] =	vst.add.f32.msk $0xffff, v2  }
0x18d: {  	[tilespmem:s7+$0x10840] =	vst.add.f32.msk $0xffff, v3  }
0x18e: {  	[tilespmem:s7+$0x10880] =	vst.add.f32.msk $0xffff, v4  }
0x18f: {  	[tilespmem:s7+$0x109D0] =	vst.add.f32.msk $0xffff, v1  }
0x190: {  	v1 =	vld.idx.msk [tilespmem:v0+s7+$0x1E0 ss:$0x1], $0xffff  }
0x191: {  	[tilespmem:s7+$0x108C0] =	vst.add.f32.msk $0xffff, v5  }
0x192: {  	[tilespmem:s7+$0x10900] =	vst.add.f32.msk $0xffff, v6  }
0x193: {  	[tilespmem:s7+$0x10940] =	vst.add.f32.msk $0xffff, v7  }
0x194: {  	[tilespmem:s7+$0x10980] =	vst.add.f32.msk $0xffff, v8  }
0x195: {  	v2 =	vld.idx.msk [tilespmem:v0+s7+$0x10 ss:$0x1], $0xffff  }
0x196: {  	[tilespmem:s7+$0x109E0] =	vst.add.f32.msk $0xffff, v1  }
0x197: {  	v1 =	vld.idx.msk [tilespmem:v0+s7+$0x1F0 ss:$0x1], $0xffff  }
0x198: {  	v3 =	vld.idx.msk [tilespmem:v0+s7+$0x50 ss:$0x1], $0xffff  }
0x199: {  	v4 =	vld.idx.msk [tilespmem:v0+s7+$0x90 ss:$0x1], $0xffff  }
0x19a: {  	v5 =	vld.idx.msk [tilespmem:v0+s7+$0xD0 ss:$0x1], $0xffff  }
0x19b: {  	v6 =	vld.idx.msk [tilespmem:v0+s7+$0x110 ss:$0x1], $0xffff  }
0x19c: {  	v7 =	vld.idx.msk [tilespmem:v0+s7+$0x150 ss:$0x1], $0xffff  }
0x19d: {  	[tilespmem:s7+$0x109F0] =	vst.add.f32.msk $0xffff, v1  }
0x19e: {  	v1 =	vld.idx.msk [tilespmem:v0+s7+$0x190 ss:$0x1], $0xffff  }
0x19f: {  	[tilespmem:s7+$0x10810] =	vst.add.f32.msk $0xffff, v2  }
0x1a0: {  	[tilespmem:s7+$0x10850] =	vst.add.f32.msk $0xffff, v3  }
0x1a1: {  	[tilespmem:s7+$0x10890] =	vst.add.f32.msk $0xffff, v4  }
0x1a2: {  	[tilespmem:s7+$0x108D0] =	vst.add.f32.msk $0xffff, v5  }
0x1a3: {  	[tilespmem:s7+$0x10910] =	vst.add.f32.msk $0xffff, v6  }
0x1a4: {  	[tilespmem:s7+$0x10950] =	vst.add.f32.msk $0xffff, v7  }
0x1a5: {  	[tilespmem:s7+$0x10990] =	vst.add.f32.msk $0xffff, v1  }
0x1a6: {  	v1 =	vld.idx.msk [tilespmem:v0+s7+$0x20 ss:$0x1], $0xffff  }
0x1a7: {  	v2 =	vld.idx.msk [tilespmem:v0+s7+$0x60 ss:$0x1], $0xffff  }
0x1a8: {  	v3 =	vld.idx.msk [tilespmem:v0+s7+$0xA0 ss:$0x1], $0xffff  }
0x1a9: {  	v4 =	vld.idx.msk [tilespmem:v0+s7+$0xE0 ss:$0x1], $0xffff  }
0x1aa: {  	v5 =	vld.idx.msk [tilespmem:v0+s7+$0x120 ss:$0x1], $0xffff  }
0x1ab: {  	v6 =	vld.idx.msk [tilespmem:v0+s7+$0x160 ss:$0x1], $0xffff  }
0x1ac: {  	v7 =	vld.idx.msk [tilespmem:v0+s7+$0x1A0 ss:$0x1], $0xffff  }
0x1ad: {  	[tilespmem:s7+$0x10820] =	vst.add.f32.msk $0xffff, v1  }
0x1ae: {  	[tilespmem:s7+$0x10860] =	vst.add.f32.msk $0xffff, v2  }
0x1af: {  	[tilespmem:s7+$0x108A0] =	vst.add.f32.msk $0xffff, v3  }
0x1b0: {  	[tilespmem:s7+$0x108E0] =	vst.add.f32.msk $0xffff, v4  }
0x1b1: {  	[tilespmem:s7+$0x10920] =	vst.add.f32.msk $0xffff, v5  }
0x1b2: {  	[tilespmem:s7+$0x10960] =	vst.add.f32.msk $0xffff, v6  }
0x1b3: {  	[tilespmem:s7+$0x109A0] =	vst.add.f32.msk $0xffff, v7  }
0x1b4: {  	v2 =	vld.idx.msk [tilespmem:v0+s7+$0x30 ss:$0x1], $0xffff  }
0x1b5: {  	v3 =	vld.idx.msk [tilespmem:v0+s7+$0x70 ss:$0x1], $0xffff  }
0x1b6: {  	v4 =	vld.idx.msk [tilespmem:v0+s7+$0xB0 ss:$0x1], $0xffff  }
0x1b7: {  	v5 =	vld.idx.msk [tilespmem:v0+s7+$0xF0 ss:$0x1], $0xffff  }
0x1b8: {  	v6 =	vld.idx.msk [tilespmem:v0+s7+$0x130 ss:$0x1], $0xffff  }
0x1b9: {  	v7 =	vld.idx.msk [tilespmem:v0+s7+$0x170 ss:$0x1], $0xffff  }
0x1ba: {  	v1 =	vld.idx.msk [tilespmem:v0+s7+$0x1B0 ss:$0x1], $0xffff  }
0x1bb: {  	[tilespmem:s7+$0x10830] =	vst.add.f32.msk $0xffff, v2  }
.Ltmp4:
0x1bc: {  	[tilespmem:s7+$0x10870] =	vst.add.f32.msk $0xffff, v3;
	(pc) =	sbr.rel @p1 .LBB2_7-.Ltmp4, $4  }
0x1bd: {  	[tilespmem:s7+$0x108B0] =	vst.add.f32.msk $0xffff, v4  }
0x1be: {  	[tilespmem:s7+$0x108F0] =	vst.add.f32.msk $0xffff, v5  }
0x1bf: {  	[tilespmem:s7+$0x10930] =	vst.add.f32.msk $0xffff, v6  }
0x1c0: {  	s11 =	sadd.s32 $0x800, s11;
	[tilespmem:s7+$0x10970] =	vst.add.f32.msk $0xffff, v7  }
0x1c1: {  	s2 =	sadd.s32 s3, s2  }
0x1c2: {  	s2 =	sshll.u32 s2, $0x4  }
0x1c3: {  	s2 =	sand.u32 $0x1FFFF000, s2  }
0x1c4: {  	[tilespmem:s7+$0x109B0] =	vst.add.f32.msk $0xffff, v1;
	s2 =	sadd.s32 s6, s2  }
0x1c5: {  	[hbm4b:s2+s16] =	stream.strided.scatter [tilespmem:s13], [sflag:$0x5], $0x2000, s17, s16, $0x38;
	[tilespmem:$0x14800] =	vst v63  }
0x1c6: {  	_ =	swait.ge [sflag:s9], $0x2000  }
0x1c7: {  	s7 =	simm.s32 @!p0 $0x10800;
	[sflag:s9] =	ssyncset.done $0x0  }
0x1c8: {  	v0 =	vmov s10;
	s2 =	sadd.s32 @!p0 $0x300, s5;
	s5 =	simm.s32 @!p0 $0x80;
	[sflag:s9] =	ssyncadd.s32 $0xFFFFE000  }
0x1c9: {  	[tilespmem:s7], [sflag:$0x3] =	stream.indirect.gather @!p0 [hbm4b:s4+s5], $0x40, s2, s5, $0xb8;
	[tilespmem:$0x14800] =	vst v63  }
0x1ca: {  	_ =	swait.ge [sflag:s20], $0x2000  }
0x1cb: {  	[sflag:s20] =	ssyncset.done $0x0  }
0x1cc: {  	s5 =	simm.s32 $0x0;
	[sflag:s20] =	ssyncadd.s32 $0xFFFFE000  }
0x1cd: {  	v1 =	vld.idx.msk [tilespmem:v0+s5+$0x1C0 ss:$0x1], $0xffff  }
0x1ce: {  	v2 =	vld.idx.msk [tilespmem:v0+s5+$0x0 ss:$0x1], $0xffff  }
0x1cf: {  	v3 =	vld.idx.msk [tilespmem:v0+s5+$0x40 ss:$0x1], $0xffff  }
0x1d0: {  	v4 =	vld.idx.msk [tilespmem:v0+s5+$0x80 ss:$0x1], $0xffff  }
0x1d1: {  	v5 =	vld.idx.msk [tilespmem:v0+s5+$0xC0 ss:$0x1], $0xffff  }
0x1d2: {  	v6 =	vld.idx.msk [tilespmem:v0+s5+$0x100 ss:$0x1], $0xffff  }
0x1d3: {  	v7 =	vld.idx.msk [tilespmem:v0+s5+$0x140 ss:$0x1], $0xffff  }
0x1d4: {  	v8 =	vld.idx.msk [tilespmem:v0+s5+$0x180 ss:$0x1], $0xffff  }
0x1d5: {  	[tilespmem:s5+$0x129C0] =	vst.add.f32.msk $0xffff, v1  }
0x1d6: {  	[tilespmem:s5+$0x12800] =	vst.add.f32.msk $0xffff, v2  }
0x1d7: {  	[tilespmem:s5+$0x12840] =	vst.add.f32.msk $0xffff, v3  }
0x1d8: {  	[tilespmem:s5+$0x12880] =	vst.add.f32.msk $0xffff, v4  }
0x1d9: {  	[tilespmem:s5+$0x128C0] =	vst.add.f32.msk $0xffff, v5  }
0x1da: {  	[tilespmem:s5+$0x12900] =	vst.add.f32.msk $0xffff, v6  }
0x1db: {  	[tilespmem:s5+$0x12940] =	vst.add.f32.msk $0xffff, v7  }
0x1dc: {  	[tilespmem:s5+$0x12980] =	vst.add.f32.msk $0xffff, v8  }
0x1dd: {  	v1 =	vld.idx.msk [tilespmem:v0+s5+$0x1D0 ss:$0x1], $0xffff  }
0x1de: {  	v2 =	vld.idx.msk [tilespmem:v0+s5+$0x10 ss:$0x1], $0xffff  }
0x1df: {  	v3 =	vld.idx.msk [tilespmem:v0+s5+$0x50 ss:$0x1], $0xffff  }
0x1e0: {  	v4 =	vld.idx.msk [tilespmem:v0+s5+$0x90 ss:$0x1], $0xffff  }
0x1e1: {  	v5 =	vld.idx.msk [tilespmem:v0+s5+$0xD0 ss:$0x1], $0xffff  }
0x1e2: {  	v6 =	vld.idx.msk [tilespmem:v0+s5+$0x110 ss:$0x1], $0xffff  }
0x1e3: {  	v7 =	vld.idx.msk [tilespmem:v0+s5+$0x150 ss:$0x1], $0xffff  }
0x1e4: {  	[tilespmem:s5+$0x129D0] =	vst.add.f32.msk $0xffff, v1  }
0x1e5: {  	[tilespmem:s5+$0x12810] =	vst.add.f32.msk $0xffff, v2  }
0x1e6: {  	[tilespmem:s5+$0x12850] =	vst.add.f32.msk $0xffff, v3  }
0x1e7: {  	[tilespmem:s5+$0x12890] =	vst.add.f32.msk $0xffff, v4  }
0x1e8: {  	[tilespmem:s5+$0x128D0] =	vst.add.f32.msk $0xffff, v5  }
0x1e9: {  	[tilespmem:s5+$0x12910] =	vst.add.f32.msk $0xffff, v6  }
0x1ea: {  	[tilespmem:s5+$0x12950] =	vst.add.f32.msk $0xffff, v7  }
0x1eb: {  	v1 =	vld.idx.msk [tilespmem:v0+s5+$0x1E0 ss:$0x1], $0xffff  }
0x1ec: {  	v2 =	vld.idx.msk [tilespmem:v0+s5+$0x60 ss:$0x1], $0xffff  }
0x1ed: {  	v3 =	vld.idx.msk [tilespmem:v0+s5+$0xA0 ss:$0x1], $0xffff  }
0x1ee: {  	v56 =	vld.idx.msk [tilespmem:v0+s5+$0xE0 ss:$0x1], $0xffff  }
0x1ef: {  	v57 =	vld.idx.msk [tilespmem:v0+s5+$0x120 ss:$0x1], $0xffff  }
0x1f0: {  	v58 =	vld.idx.msk [tilespmem:v0+s5+$0x160 ss:$0x1], $0xffff  }
0x1f1: {  	[tilespmem:s5+$0x129E0] =	vst.add.f32.msk $0xffff, v1  }
0x1f2: {  	[tilespmem:s5+$0x12860] =	vst.add.f32.msk $0xffff, v2  }
0x1f3: {  	v1 =	vld.idx.msk [tilespmem:v0+s5+$0x1F0 ss:$0x1], $0xffff  }
0x1f4: {  	[tilespmem:s5+$0x128A0] =	vst.add.f32.msk $0xffff, v3  }
0x1f5: {  	[tilespmem:s5+$0x128E0] =	vst.add.f32.msk $0xffff, v56  }
0x1f6: {  	[tilespmem:s5+$0x12920] =	vst.add.f32.msk $0xffff, v57  }
0x1f7: {  	[tilespmem:s5+$0x12960] =	vst.add.f32.msk $0xffff, v58  }
0x1f8: {  	[tilespmem:s5+$0x129F0] =	vst.add.f32.msk $0xffff, v1  }
0x1f9: {  	v1 =	vld.idx.msk [tilespmem:v0+s5+$0x190 ss:$0x1], $0xffff  }
0x1fa: {  	v3 =	vld.idx.msk [tilespmem:v0+s5+$0x70 ss:$0x1], $0xffff  }
0x1fb: {  	v60 =	vld.idx.msk [tilespmem:v0+s5+$0xB0 ss:$0x1], $0xffff  }
0x1fc: {  	v61 =	vld.idx.msk [tilespmem:v0+s5+$0xF0 ss:$0x1], $0xffff  }
0x1fd: {  	v62 =	vld.idx.msk [tilespmem:v0+s5+$0x130 ss:$0x1], $0xffff  }
0x1fe: {  	[tilespmem:s5+$0x12990] =	vst.add.f32.msk $0xffff, v1  }
0x1ff: {  	v1 =	vld.idx.msk [tilespmem:v0+s5+$0x20 ss:$0x1], $0xffff  }
0x200: {  	v59 =	vld.idx.msk [tilespmem:v0+s5+$0x1A0 ss:$0x1], $0xffff  }
0x201: {  	v63 =	vld.idx.msk [tilespmem:v0+s5+$0x170 ss:$0x1], $0xffff  }
0x202: {  	[tilespmem:s5+$0x12870] =	vst.add.f32.msk $0xffff, v3  }
0x203: {  	[tilespmem:s5+$0x128B0] =	vst.add.f32.msk $0xffff, v60  }
0x204: {  	[tilespmem:s5+$0x12820] =	vst.add.f32.msk $0xffff, v1  }
0x205: {  	[tilespmem:s5+$0x129A0] =	vst.add.f32.msk $0xffff, v59  }
0x206: {  	v2 =	vld.idx.msk [tilespmem:v0+s5+$0x30 ss:$0x1], $0xffff  }
0x207: {  	v1 =	vld.idx.msk [tilespmem:v0+s5+$0x1B0 ss:$0x1], $0xffff  }
0x208: {  	[tilespmem:s5+$0x128F0] =	vst.add.f32.msk $0xffff, v61  }
0x209: {  	[tilespmem:s5+$0x12930] =	vst.add.f32.msk $0xffff, v62  }
0x20a: {  	[tilespmem:s5+$0x12970] =	vst.add.f32.msk $0xffff, v63  }
0x20b: {  	s1 =	sor.u32 $0x180, s1;
	s2 =	simm.s32 $0x0;
	s7 =	simm.s32 $0x800;
	[tilespmem:s5+$0x12830] =	vst.add.f32.msk $0xffff, v2  }
.LBB2_9:
0x20c: {  	s2 =	sadd.s32 $0x8, s2;
	[tilespmem:s5+$0x129B0] =	vst.add.f32.msk $0xffff, v1;
	s5 =	sshra.s32 s7, $0x2  }
0x20d: {  	v1 =	vld.idx.msk [tilespmem:v0+s5+$0x1C0 ss:$0x1], $0xffff;
	p1 =	slt.u32 s2, $0x78  }
0x20e: {  	v2 =	vld.idx.msk [tilespmem:v0+s5+$0x0 ss:$0x1], $0xffff  }
0x20f: {  	v3 =	vld.idx.msk [tilespmem:v0+s5+$0x40 ss:$0x1], $0xffff  }
0x210: {  	v4 =	vld.idx.msk [tilespmem:v0+s5+$0x80 ss:$0x1], $0xffff  }
0x211: {  	v5 =	vld.idx.msk [tilespmem:v0+s5+$0xC0 ss:$0x1], $0xffff  }
0x212: {  	v6 =	vld.idx.msk [tilespmem:v0+s5+$0x100 ss:$0x1], $0xffff  }
0x213: {  	[tilespmem:s5+$0x129C0] =	vst.add.f32.msk $0xffff, v1  }
0x214: {  	v1 =	vld.idx.msk [tilespmem:v0+s5+$0x1D0 ss:$0x1], $0xffff  }
0x215: {  	v7 =	vld.idx.msk [tilespmem:v0+s5+$0x140 ss:$0x1], $0xffff  }
0x216: {  	v8 =	vld.idx.msk [tilespmem:v0+s5+$0x180 ss:$0x1], $0xffff  }
0x217: {  	[tilespmem:s5+$0x12800] =	vst.add.f32.msk $0xffff, v2  }
0x218: {  	[tilespmem:s5+$0x12840] =	vst.add.f32.msk $0xffff, v3  }
0x219: {  	[tilespmem:s5+$0x12880] =	vst.add.f32.msk $0xffff, v4  }
0x21a: {  	[tilespmem:s5+$0x129D0] =	vst.add.f32.msk $0xffff, v1  }
0x21b: {  	v1 =	vld.idx.msk [tilespmem:v0+s5+$0x1E0 ss:$0x1], $0xffff  }
0x21c: {  	[tilespmem:s5+$0x128C0] =	vst.add.f32.msk $0xffff, v5  }
0x21d: {  	[tilespmem:s5+$0x12900] =	vst.add.f32.msk $0xffff, v6  }
0x21e: {  	[tilespmem:s5+$0x12940] =	vst.add.f32.msk $0xffff, v7  }
0x21f: {  	[tilespmem:s5+$0x12980] =	vst.add.f32.msk $0xffff, v8  }
0x220: {  	v2 =	vld.idx.msk [tilespmem:v0+s5+$0x10 ss:$0x1], $0xffff  }
0x221: {  	[tilespmem:s5+$0x129E0] =	vst.add.f32.msk $0xffff, v1  }
0x222: {  	v1 =	vld.idx.msk [tilespmem:v0+s5+$0x1F0 ss:$0x1], $0xffff  }
0x223: {  	v3 =	vld.idx.msk [tilespmem:v0+s5+$0x50 ss:$0x1], $0xffff  }
0x224: {  	v4 =	vld.idx.msk [tilespmem:v0+s5+$0x90 ss:$0x1], $0xffff  }
0x225: {  	v5 =	vld.idx.msk [tilespmem:v0+s5+$0xD0 ss:$0x1], $0xffff  }
0x226: {  	v6 =	vld.idx.msk [tilespmem:v0+s5+$0x110 ss:$0x1], $0xffff  }
0x227: {  	v7 =	vld.idx.msk [tilespmem:v0+s5+$0x150 ss:$0x1], $0xffff  }
0x228: {  	[tilespmem:s5+$0x129F0] =	vst.add.f32.msk $0xffff, v1  }
0x229: {  	v1 =	vld.idx.msk [tilespmem:v0+s5+$0x190 ss:$0x1], $0xffff  }
0x22a: {  	[tilespmem:s5+$0x12810] =	vst.add.f32.msk $0xffff, v2  }
0x22b: {  	[tilespmem:s5+$0x12850] =	vst.add.f32.msk $0xffff, v3  }
0x22c: {  	[tilespmem:s5+$0x12890] =	vst.add.f32.msk $0xffff, v4  }
0x22d: {  	[tilespmem:s5+$0x128D0] =	vst.add.f32.msk $0xffff, v5  }
0x22e: {  	[tilespmem:s5+$0x12910] =	vst.add.f32.msk $0xffff, v6  }
0x22f: {  	[tilespmem:s5+$0x12950] =	vst.add.f32.msk $0xffff, v7  }
0x230: {  	[tilespmem:s5+$0x12990] =	vst.add.f32.msk $0xffff, v1  }
0x231: {  	v1 =	vld.idx.msk [tilespmem:v0+s5+$0x20 ss:$0x1], $0xffff  }
0x232: {  	v2 =	vld.idx.msk [tilespmem:v0+s5+$0x60 ss:$0x1], $0xffff  }
0x233: {  	v3 =	vld.idx.msk [tilespmem:v0+s5+$0xA0 ss:$0x1], $0xffff  }
0x234: {  	v4 =	vld.idx.msk [tilespmem:v0+s5+$0xE0 ss:$0x1], $0xffff  }
0x235: {  	v5 =	vld.idx.msk [tilespmem:v0+s5+$0x120 ss:$0x1], $0xffff  }
0x236: {  	v6 =	vld.idx.msk [tilespmem:v0+s5+$0x160 ss:$0x1], $0xffff  }
0x237: {  	v7 =	vld.idx.msk [tilespmem:v0+s5+$0x1A0 ss:$0x1], $0xffff  }
0x238: {  	[tilespmem:s5+$0x12820] =	vst.add.f32.msk $0xffff, v1  }
0x239: {  	[tilespmem:s5+$0x12860] =	vst.add.f32.msk $0xffff, v2  }
0x23a: {  	[tilespmem:s5+$0x128A0] =	vst.add.f32.msk $0xffff, v3  }
0x23b: {  	[tilespmem:s5+$0x128E0] =	vst.add.f32.msk $0xffff, v4  }
0x23c: {  	[tilespmem:s5+$0x12920] =	vst.add.f32.msk $0xffff, v5  }
0x23d: {  	[tilespmem:s5+$0x12960] =	vst.add.f32.msk $0xffff, v6  }
0x23e: {  	[tilespmem:s5+$0x129A0] =	vst.add.f32.msk $0xffff, v7  }
0x23f: {  	v2 =	vld.idx.msk [tilespmem:v0+s5+$0x30 ss:$0x1], $0xffff  }
0x240: {  	v3 =	vld.idx.msk [tilespmem:v0+s5+$0x70 ss:$0x1], $0xffff  }
0x241: {  	v4 =	vld.idx.msk [tilespmem:v0+s5+$0xB0 ss:$0x1], $0xffff  }
0x242: {  	v5 =	vld.idx.msk [tilespmem:v0+s5+$0xF0 ss:$0x1], $0xffff  }
0x243: {  	v6 =	vld.idx.msk [tilespmem:v0+s5+$0x130 ss:$0x1], $0xffff  }
0x244: {  	v7 =	vld.idx.msk [tilespmem:v0+s5+$0x170 ss:$0x1], $0xffff  }
0x245: {  	v1 =	vld.idx.msk [tilespmem:v0+s5+$0x1B0 ss:$0x1], $0xffff  }
0x246: {  	[tilespmem:s5+$0x12830] =	vst.add.f32.msk $0xffff, v2  }
.Ltmp5:
0x247: {  	[tilespmem:s5+$0x12870] =	vst.add.f32.msk $0xffff, v3;
	(pc) =	sbr.rel @p1 .LBB2_9-.Ltmp5, $4  }
0x248: {  	[tilespmem:s5+$0x128B0] =	vst.add.f32.msk $0xffff, v4  }
0x249: {  	[tilespmem:s5+$0x128F0] =	vst.add.f32.msk $0xffff, v5  }
0x24a: {  	[tilespmem:s5+$0x12930] =	vst.add.f32.msk $0xffff, v6  }
0x24b: {  	s7 =	sadd.s32 $0x800, s7;
	[tilespmem:s5+$0x12970] =	vst.add.f32.msk $0xffff, v7  }
0x24c: {  	s1 =	sadd.s32 s3, s1  }
0x24d: {  	s1 =	sshll.u32 s1, $0x4  }
0x24e: {  	s1 =	sand.u32 $0x1FFFF800, s1  }
.Ltmp6:
0x24f: {  	[tilespmem:s5+$0x129B0] =	vst.add.f32.msk $0xffff, v1;
	s1 =	sadd.s32 s6, s1;
	(pc) =	sbr.rel @p0 .LBB2_12-.Ltmp6, $4  }
0x250: {  	[hbm4b:s1+s16] =	stream.strided.scatter [tilespmem:s14], [sflag:$0x5], $0x2000, s17, s16, $0x38;
	[tilespmem:$0x14800] =	vst v63  }
0x251: {  	_ =	swait.ge [sflag:s9], $0x2000  }
0x252: {  	[sflag:s9] =	ssyncset.done $0x0  }
0x253: {  	[sflag:s9] =	ssyncadd.s32 $0xFFFFE000  }
.Ltmp7:
0x254: {  	s0 =	sshrl.u32 s0, $0x2;
	s31 =	sadd.s32 $0x1, s31;
	(pc) =	sbr.rel .LBB2_2-.Ltmp7, $4  }
0x255: {  	s24 =	sadd.s32 $0x8000, s24;
	s30 =	sadd.s32 $0x200, s30;
	s25 =	sadd.s32 $0x8000, s25  }
0x256: {  	s29 =	sadd.s32 $0x200, s29;
	s26 =	sadd.s32 $0x8000, s26;
	s22 =	sadd.s32 $0x200, s22  }
0x257: {  	s28 =	sadd.s32 $0x8000, s28;
	s23 =	sadd.s32 $0x200, s23;
	s0 =	sadd.s32 $0x380, s0  }
0x258: {  	[tilespmem:s14], [sflag:$0x4] =	stream.indirect.gather [hbm4b:s4+s17], $0x40, s0, s17, $0xb8;
	[tilespmem:$0x14800] =	vst v63  }
.LBB2_13:
0x259: {  	_ =	sfence.sel $0x180000  }
0x25a: {  	[bflag:$0x0] =	sbarrier.arrive $0xFFFF  }
0x25b: {  	_ =	strace $0x90000047  }
0x25c: {  	s0 =	stileid.u32;
	[bflag:$0x2] =	sbarrier.arrive $0xFFFF  }
0x25d: {  	p0 =	sne.s32 s0, $0x0;
	s0 =	rddreg [dreg:$0x2]  }
0x25e: {  	s0 =	sadd.s32 @!p0 $0x100000, s0  }
0x25f: {  	[sflag:s0] =	ssyncadd.tile.s32 @!p0 $0x1;
	_ =	shalt  }
.Lfunc_end2:
_tile_overlayer_lowered:
.L_overlay_start_2:
0x260: {  	(tag) =	ssettag $0x2  }
0x261: {  	s0 =	rddreg [dreg:$0x0];
	s2 =	stileid.u32  }
0x262: {  	s1 =	rddreg [dreg:$0x1];
	p0 =	sne.s32 s2, $0x0  }
0x263: {  	s3 =	rddreg [dreg:$0x2];
	[bflag:$0x3] =	sbarrier.arrive $0xFFFF;
	s2 =	simm.s32 @!p0 $0x1C05  }
0x264: {  	[timem:s3], [sflag:s2] =	dma.local @!p0 [hbm:s0], s1  }
0x265: {  	s0 =	simm.s32 @!p0 $0x5  }
0x266: {  	_ =	swait.ge @!p0 [sflag:s0], s1  }
0x267: {  	s1 =	ssub.s32 @!p0 $0x0, s1;
	[sflag:s0] =	ssyncset.done @!p0 $0x0  }
0x268: {  	[sflag:s0] =	ssyncadd.s32 @!p0 s1  }
0x269: {  	[bflag:$0x3] =	sbarrier.arrive $0xFFFF  }
0x26a: {  	_ =	shalt  }

// kernel: sparse-core-data-format-call.cloned.1.call-start
scs
called_computation_lowered:
.L_overlay_start_0:
0x0: {  	s2 =	sld [smem:$0x3FD9]  }
0x1: {  	s3 =	sld [smem:$0x3FFE];
	_ =	sdelay $0x1  }
0x2: {  	s1 =	srdreg.scid  }
0x3: {  	s0 =	sand.u32 $0x1, s1  }
0x4: {  	s18 =	sshll.u32 s0, $0xA;
	s2 =	sadd.s32 s3, s2  }
0x5: {  	s2 =	sadd.s32 s2, s18  }
0x6: {  	[smem:$0x3FC5] =	sst s2  }
0x7: {  	_ = 	snop  }
0x8: {  	s2 =	sld [smem:$0x3FD0];
	(tm) =	ssettm $0x1  }
0x9: {  	s19 =	sld [smem:$0x3FFB];
	_ =	sdelay $0x3  }
0xa: {  	_ =	strace s19  }
0xb: {  	s3 =	sld [smem:$0x3FFC];
	_ =	sdelay $0x3  }
0xc: {  	_ =	strace s3  }
0xd: {  	s3 =	sld [smem:$0x3FFD];
	_ =	sdelay $0x3  }
0xe: {  	_ =	strace s3  }
0xf: {  	_ =	strace $0x8FFFFFFF  }
0x10: {  	s20 =	sld [smem:$0x3FDB];
	_ =	sdelay $0x1  }
0x11: {  	s4 =	simm.s32 $_scs_section_size  }
0x12: {  	s5 =	simm.s32 $_size__tile_overlayer_lowered;
	s6 =	simm.s32 $_tile_overlayer_lowered  }
0x13: {  	s23 =	simm.s32 $0x1BFF;
	s22 =	sshll.u32 s6, $0x1;
	s3 =	sadd.s32 s4, s20  }
0x14: {  	s7 =	simm.s32 $0x0;
	s21 =	sshll.u32 s5, $0x1;
	s5 =	sadd.s32 s22, s3  }
0x15: {  	[timem:s7], [sflag:s23] =	dma.local [hbm:s5], s21  }
0x16: {  	_ =	swait.ge [sflag:s23], s21  }
0x17: {  	s4 =	ssub.s32 $0x0, s21;
	[sflag:s23] =	ssyncset.done $0x0  }
0x18: {  	[sflag:s23] =	ssyncadd.s32 s4;
	_ =	sdelay $0x1  }
0x19: {  	s24 =	simm.s32 $0x1B8B  }
0x1a: {  	_ =	swait.ge [sflag:s24], $0x1  }
0x1b: {  	[sflag:s24] =	ssyncset.done $0x0  }
0x1c: {  	s26 =	simm.s32 $0x1B8E;
	s25 =	sld [smem:$0x3FFE];
	[sflag:s24] =	ssyncadd.s32 $0xFFFFFFFF  }
0x1d: {  	s27 =	simm.s32 $execute0_lowered;
	[smem:$0x3FD2] =	sst s26  }
0x1e: {  	s5 =	sshll.u32 s27, $0x1;
	_ =	strace $0x80000049;
	[dreg:$0x1] =	wrdreg $0xFFFFFFFF  }
0x1f: {  	s28 =	simm.s32 $_size_execute0_lowered;
	s3 =	sadd.s32 s3, s5;
	[dreg:$0x0] =	wrdreg $0x0  }
0x20: {  	s5 =	sshll.u32 s28, $0x1;
	[dreg:$0x2] =	wrdreg s3  }
0x21: {  	[dreg:$0x3] =	wrdreg s5  }
0x22: {  	[dreg:$0x4] =	wrdreg $0xC0  }
0x23: {  	_ =	task [dreg:s7], $0x5FFFF  }
0x24: {  	[dreg:$0x1] =	wrdreg $0xFFFFFFFF  }
0x25: {  	[dreg:$0x0] =	wrdreg $0x60  }
0x26: {  	[dreg:$0x2] =	wrdreg s25  }
0x27: {  	[dreg:$0x3] =	wrdreg s2  }
0x28: {  	[dreg:$0x4] =	wrdreg $0x9  }
0x29: {  	_ =	task.clear_ibuf [dreg:s7], $0x5FFFF;
	_ =	strace $0x90000049  }
0x2a: {  	s29 =	simm.s32 $0x9;
	_ =	strace $0x8000004B  }
0x2b: {  	_ =	swait.ge [sflag:s29], $0x1  }
0x2c: {  	[sflag:s29] =	ssyncadd.s32 $0xFFFFFFFF  }
0x2d: {  	_ =	strace $0x9000004B  }
0x2e: {  	_ =	sfence  }
0x2f: {  	s30 =	sld [smem:$0x0];
	_ =	sdelay $0x2  }
0x30: {  	s31 =	sshll.u32 s1, $0xD;
	s1 =	sshrl.u32 s1, $0x2  }
0x31: {  	s3 =	sand.u32 $0x4000, s31;
	s1 =	sadd.s32 s1, s30  }
0x32: {  	s0 =	sor.u32 s3, s0;
	s1 =	sshll.u32 s1, $0x11  }
0x33: {  	s0 =	sor.u32 s1, s0  }
0x34: {  	s0 =	sadd.s32 $0x8F2B, s0  }
0x35: {  	[sflag:s0] =	ssyncadd.remote.s32 $0x1  }
0x36: {  	_ =	sfence.sel $0xFFFF  }
0x37: {  	[dreg:$0x0] =	wrdreg $0xFFFFFFFF;
	(pc) =	sbr.abs _section_cstart, $3  }
0x38: {  	[dreg:$0x1] =	wrdreg $0xFFFFFFFF  }
0x39: {  	_ =	task.clear_ibuf [dreg:s7], $0x2FFFF;
	_ =	strace $0x9FFFFFFF  }
0x3a: {  	(tm) =	ssettm $0x7FFFFFFF  }
0x3b: {  	_ =	shalt  }
tec
execute0_lowered:
.L_overlay_start_1:
0x0: {  	(tag) =	ssettag $0x1  }
0x1: {  	s0 =	srdreg.scid  }
0x2: {  	s1 =	sshll.u32 s0, $0x4  }
0x3: {  	s0 =	stileid.u32;
	s1 =	sand.u32 $0x10, s1  }
0x4: {  	s1 =	sor.u32 s0, s1  }
0x5: {  	s6 =	rddreg [dreg:$0x0];
	s4 =	simm.s32 $0x1;
	s2 =	sshll.u32 s1, $0x7  }
0x6: {  	s7 =	simm.s32 $0x2;
	s12 =	simm.s32 $0x0;
	s1 =	ssub.s32 $0x1000, s2  }
0x7: {  	s8 =	simm.s32 $0x8000;
	s13 =	simm.s32 $0x0;
	s3 =	sand.u32 $0xF80, s1  }
0x8: {  	s9 =	simm.s32 $0x0;
	s5 =	sshrl.u32 s1, $0xC;
	p0 =	sne.s32 s3, $0x0  }
.Ltmp0:
0x9: {  	s1 =	rddreg [dreg:$0x2];
	s4 =	simm.s32 @!p0 $0x0;
	(pc) =	sbr.rel .LBB1_1-.Ltmp0, $4  }
0xa: {  	s11 =	simm.s32 $0x0;
	s3 =	rddreg [dreg:$0x1];
	s5 =	sadd.s32 s4, s5  }
0xb: {  	_ =	strace $0x8000004A;
	s4 =	simm.s32 $0x1;
	s5 =	smul.u32 $0xC8, s5  }
0xc: {  	s6 =	sadd.s32 $0x1C00, s6;
	s10 =	smov.u32 s2;
	[sflag:s4] =	ssyncpa.u1 $0x0  }
0xd: {  	p0 =	por $0x0, $0x0;
	[sflag:s7] =	ssyncpa.u1 $0x0;
	s7 =	sor.u32 $0x1, s5  }
.LBB1_4:
0xe: {  	s16 =	sshll.u32 s13, $0x3;
	s17 =	sand.u32 $0x78, s13  }
0xf: {  	s30 =	sand.u32 $0x7E00, s13;
	s12 =	sshll.u32 s12, $0xF;
	s16 =	sand.u32 $0xC00, s16  }
0x10: {  	[tilespmem:s15+$0x810 ss:$0x81] =	vst.msk $0xffff, v2;
	s31 =	sand.u32 $0x7, s13;
	s16 =	sor.u32 s17, s16;
	s17 =	sadd.s32 s3, s30  }
0x11: {  	[tilespmem:s15+$0x1020 ss:$0x81] =	vst.msk $0xffff, v0;
	s13 =	sshll.u32 s31, $0x12;
	s12 =	sadd.s32 s12, s17;
	s16 =	sshrl.u32 s16, $0x3  }
0x12: {  	[tilespmem:s15+$0x0 ss:$0x81] =	vst.msk $0xffff, v1;
	s13 =	sor.u32 $0x400, s13;
	s12 =	sadd.s32 s16, s12  }
0x13: {  	[hbm4b:s12+s13] =	stream.strided.scatter [tilespmem:s14], [sflag:$0x2], $0x2000, s8, s13, $0x20;
	[tilespmem:$0x8080] =	vst v63  }
.LBB1_5:
0x14: {  	s14 =	sadd.s32 $0x1, s9  }
0x15: {  	s12 =	sadd.s32 $0x1000, s10;
	s16 =	smov.u32 s10;
	p2 =	sgt.s32 s14, $0xC7  }
0x16: {  	s16 =	smov.u32 @p2 s12  }
0x17: {  	s14 =	simm.s32 @p2 $0x0;
	p2 =	sgt.s32 s16, $0xFFF  }
0x18: {  	s16 =	smov.u32 @p2 s2;
	p2 =	sne.s32 s11, s7  }
.Ltmp1:
0x19: {  	p1 =	slt.u32 s11, $0x2;
	(pc) =	sbr.rel @!p2 .LBB1_6-.Ltmp1, $4  }
0x1a: {  	s15 =	simm.s32 @!p1 $0x2  }
0x1b: {  	s13 =	smov.u32 s10;
	p0 =	por !p0, !p0;
	_ =	swait.ge @!p1 [sflag:s15], $0x2000  }
0x1c: {  	s12 =	smov.u32 s9;
	[sflag:s15] =	ssyncset.done @!p1 $0x0;
	s9 =	smov.u32 s14  }
0x1d: {  	s11 =	sadd.s32 $0x1, s11;
	[sflag:s15] =	ssyncadd.s32 @!p1 $0xFFFFE000;
	s10 =	smov.u32 s16  }
.LBB1_1:
0x1e: {  	p1 =	sge.u32 s11, s5  }
0x1f: {  	s14 =	sand.u32 @!p1 $0x1FFFFFF, s9  }
0x20: {  	s15 =	smulhi.u32 @!p1 $0x147AE15, s14;
	_ =	sdelay $0x1  }
0x21: {  	s15 =	smul.u32 @!p1 $0xC8, s15  }
0x22: {  	s16 =	sxor.u32 @!p1 $0xFFFFFFFF, s11;
	s17 =	smul.u32 @!p1 $0xC80, s10  }
0x23: {  	s31 =	sadd.s32 $0xFFFFFFFF, s11;
	s16 =	sshll.u32 @!p1 s16, $0xD;
	s14 =	ssub.s32 @!p1 s14, s15  }
0x24: {  	s15 =	sand.u32 @!p1 $0x2000, s16;
	s16 =	sadd.s32 @!p1 s6, s17;
	s14 =	sshll.u32 @!p1 s14, $0x4  }
0x25: {  	s17 =	simm.s32 @!p1 $0x6400;
	s14 =	sadd.s32 @!p1 s14, s16;
	s16 =	simm.s32 @!p1 $0x40  }
0x26: {  	[tilespmem:s15], [sflag:$0x1] =	stream.strided.gather @!p1 [hbm4b:s14+s16], $0x2000, s17, s16, $0x38;
	[tilespmem:$0x8080] =	vst v63  }
0x27: {  	p1 =	sge.u32 s31, s5  }
.Ltmp2:
0x28: {  	_ = 	snop;
	(pc) =	sbr.rel @p1 .LBB1_5-.Ltmp2, $1  }
0x29: {  	_ =	sdelay $0x3  }
0x2a: {  	s14 =	simm.s32 $0x1  }
0x2b: {  	_ =	swait.ge [sflag:s4], $0x2000;
	s14 =	simm.s32 @!p0 $0x0  }
0x2c: {  	[sflag:s4] =	ssyncset.done $0x0;
	s15 =	sshll.u32 s14, $0xD  }
0x2d: {  	[sflag:s4] =	ssyncadd.s32 $0xFFFFE000;
	s18 =	sor.u32 $0x20, s15  }
0x2e: {  	s14 =	smul.u32 $0x8100, s14;
	v3 =	vld [tilespmem:s18+$0x10]  }
0x2f: {  	s30 =	sand.u32 $0x1, s11;
	v2 =	vld [tilespmem:s18+$0xFFFFFFF0]  }
0x30: {  	s15 =	smul.u32 $0x8100, s30;
	s14 =	sshrl.u32 s14, $0x2;
	v0 =	vld [tilespmem:s18+$0x0]  }
0x31: {  	v1 =	vld [tilespmem:s18+$0xFFFFFFE0];
	s16 =	sor.u32 $0x4000, s14  }
0x32: {  	s31 =	sshrl.u32 s15, $0x2;
	s15 =	sadd.s32 $0x0, s16  }
0x33: {  	s17 =	simm.s32 $0x4;
	s18 =	sadd.s32 $0x40, s18;
	s14 =	sor.u32 $0x4000, s31;
	[tilespmem:s15+$0x1830 ss:$0x81] =	vst.msk $0xffff, v3  }
.LBB1_3:
0x34: {  	v3 =	vld [tilespmem:s18+$0x10];
	p1 =	sne.s32 s17, $0x1FC;
	[tilespmem:s15+$0x810 ss:$0x81] =	vst.msk $0xffff, v2;
	s19 =	smov.u32 s17;
	s17 =	sadd.s32 $0x4, s17  }
.Ltmp3:
0x35: {  	v2 =	vld [tilespmem:s18+$0xFFFFFFF0];
	[tilespmem:s15+$0x1020 ss:$0x81] =	vst.msk $0xffff, v0;
	(pc) =	sbr.rel @p1 .LBB1_3-.Ltmp3, $4  }
0x36: {  	v0 =	vld [tilespmem:s18+$0x0];
	[tilespmem:s15+$0x0 ss:$0x81] =	vst.msk $0xffff, v1  }
0x37: {  	s15 =	sshra.s32 s19, $0x2;
	v1 =	vld [tilespmem:s18+$0xFFFFFFE0]  }
0x38: {  	s15 =	sadd.s32 s15, s16  }
0x39: {  	s18 =	sadd.s32 $0x40, s18;
	[tilespmem:s15+$0x1830 ss:$0x81] =	vst.msk $0xffff, v3  }
.Ltmp4:
0x3a: {  	_ = 	snop;
	(pc) =	sbr.rel .LBB1_4-.Ltmp4, $1  }
0x3b: {  	_ =	sdelay $0x3  }
.LBB1_6:
0x3c: {  	_ =	sfence.sel $0x180000  }
0x3d: {  	s2 =	simm.s32 $0x1;
	[bflag:$0x0] =	sbarrier.arrive $0xFFFF  }
0x3e: {  	s31 =	simm.s32 $0x2;
	[sflag:s2] =	ssyncpa.u1 $0x1  }
0x3f: {  	[sflag:s31] =	ssyncpa.u1 $0x1  }
0x40: {  	p0 =	sne.s32 s0, $0x0;
	_ =	strace $0x9000004A  }
0x41: {  	s0 =	sadd.s32 @!p0 $0x100000, s1;
	[bflag:$0x2] =	sbarrier.arrive $0xFFFF  }
0x42: {  	[sflag:s0] =	ssyncadd.tile.s32 @!p0 $0x1;
	_ =	shalt  }
.Lfunc_end1:
_tile_overlayer_lowered:
.L_overlay_start_2:
0x43: {  	(tag) =	ssettag $0x2  }
0x44: {  	s0 =	rddreg [dreg:$0x0];
	s2 =	stileid.u32  }
0x45: {  	s1 =	rddreg [dreg:$0x1];
	p0 =	sne.s32 s2, $0x0  }
0x46: {  	s3 =	rddreg [dreg:$0x2];
	[bflag:$0x3] =	sbarrier.arrive $0xFFFF;
	s2 =	simm.s32 @!p0 $0x1C01  }
0x47: {  	[timem:s3], [sflag:s2] =	dma.local @!p0 [hbm:s0], s1  }
0x48: {  	s0 =	simm.s32 @!p0 $0x1  }
0x49: {  	_ =	swait.ge @!p0 [sflag:s0], s1  }
0x4a: {  	s1 =	ssub.s32 @!p0 $0x0, s1;
	[sflag:s0] =	ssyncset.done @!p0 $0x0  }
0x4b: {  	[sflag:s0] =	ssyncadd.s32 @!p0 s1  }
0x4c: {  	[bflag:$0x3] =	sbarrier.arrive $0xFFFF  }
0x4d: {  	_ =	shalt  }

</sc_bundles>
